<compile_context>
chip_gen: v7x
topology: tpu7x:2x2x1
jax: 0.10.2.dev20260603
libtpu: 0.0.44.dev20260713+nightly
codegen_flags: <defaults>
</compile_context>

<pallas_src>
import functools

import jax
import jax.numpy as jnp
from jax import lax
from jax.experimental import pallas as pl
from jax.experimental.pallas import tpu as pltpu
from jax.experimental.pallas import tpu_sc as plsc

N = 10000
E = 320000
F = 128
H = 128
C = 40

NC = 2
NS = 16
L = 16
NW = NC * NS
EPW = E // NW
CH = 80
NCHUNK = EPW // CH
RPT = N // NS
FP = F + L


def _sc_aggregate(xp, ei):
    mesh = plsc.VectorSubcoreMesh(core_axis_name="c", subcore_axis_name="s")

    @functools.partial(
        pl.kernel,
        out_type=jax.ShapeDtypeStruct((NC, N, FP), jnp.float32),
        mesh=mesh,
        compiler_params=pltpu.CompilerParams(use_tc_tiling_on_sc=False),
        scratch_types=[
            pltpu.VMEM((4, 2, CH), jnp.int32),
            pltpu.VMEM((CH, FP), jnp.float32),
            pltpu.VMEM((CH, FP), jnp.float32),
            pltpu.VMEM_SHARED((N, FP), jnp.float32),
            pltpu.SemaphoreType.DMA,
            pltpu.SemaphoreType.DMA,
            pltpu.SemaphoreType.DMA,
            pltpu.SemaphoreType.DMA,
            pltpu.SemaphoreType.DMA,
            pltpu.SemaphoreType.DMA,
            pltpu.SemaphoreType.DMA,
            pltpu.SemaphoreType.DMA,
        ],
    )
    def agg(ei_hbm, xp_hbm, acc_out,
            idx, rowsA, rowsB, acc_sh,
            sGA, sGB, sSA, sSB, sI0, sI1, sI2, sI3):
        sI = (sI0, sI1, sI2, sI3)
        cid = lax.axis_index("c")
        sid = lax.axis_index("s")
        wid = sid * NC + cid

        zv = jnp.zeros((L,), jnp.float32)

        @pl.loop(0, CH)
        def _(i):
            for j in range(FP // L):
                rowsA[i, pl.ds(j * L, L)] = zv

        r0 = sid * RPT
        for t in range(RPT // CH):
            pltpu.sync_copy(rowsA, acc_sh.at[pl.ds(r0 + t * CH, CH)])
        pltpu.sync_copy(rowsA.at[pl.ds(0, RPT % CH)],
                        acc_sh.at[pl.ds(r0 + (RPT // CH) * CH, RPT % CH)])

        def i_fetch(c, j):
            off = wid * EPW + c * CH
            pltpu.async_copy(ei_hbm.at[0, pl.ds(off, CH)], idx.at[j, 0], sI[j])
            pltpu.async_copy(ei_hbm.at[1, pl.ds(off, CH)], idx.at[j, 1], sI[j])

        def g_wait(sem, buf):
            pltpu.make_async_copy(xp_hbm.at[idx.at[0, 0]], buf, sem).wait()

        def s_wait(sem, buf):
            pltpu.make_async_copy(buf, acc_sh.at[idx.at[0, 1]], sem).wait()

        def i_wait(j):
            pltpu.make_async_copy(ei_hbm.at[0, pl.ds(0, CH)], idx.at[j, 0],
                                  sI[j]).wait()
            pltpu.make_async_copy(ei_hbm.at[0, pl.ds(0, CH)], idx.at[j, 1],
                                  sI[j]).wait()

        for j in range(4):
            i_fetch(j, j)

        i_wait(0)
        pltpu.async_copy(xp_hbm.at[idx.at[0, 0]], rowsA, sGA)
        i_wait(1)
        pltpu.async_copy(xp_hbm.at[idx.at[1, 0]], rowsB, sGB)

        plsc.subcore_barrier()

        @pl.loop(0, NCHUNK - 1, step=4)
        def _(k):
            g_wait(sGA, rowsA)
            pltpu.async_copy(rowsA, acc_sh.at[idx.at[0, 1]], sSA, add=True)
            g_wait(sGB, rowsB)
            pltpu.async_copy(rowsB, acc_sh.at[idx.at[1, 1]], sSB, add=True)

            s_wait(sSA, rowsA)

            @pl.when(k + 4 < NCHUNK)
            def _():
                i_fetch(k + 4, 0)

            i_wait(2)
            pltpu.async_copy(xp_hbm.at[idx.at[2, 0]], rowsA, sGA)

            s_wait(sSB, rowsB)

            @pl.when(k + 5 < NCHUNK)
            def _():
                i_fetch(k + 5, 1)

            i_wait(3)
            pltpu.async_copy(xp_hbm.at[idx.at[3, 0]], rowsB, sGB)

            g_wait(sGA, rowsA)
            pltpu.async_copy(rowsA, acc_sh.at[idx.at[2, 1]], sSA, add=True)
            g_wait(sGB, rowsB)
            pltpu.async_copy(rowsB, acc_sh.at[idx.at[3, 1]], sSB, add=True)

            s_wait(sSA, rowsA)

            @pl.when(k + 6 < NCHUNK)
            def _():
                i_fetch(k + 6, 2)

            @pl.when(k + 4 < NCHUNK)
            def _():
                i_wait(0)
                pltpu.async_copy(xp_hbm.at[idx.at[0, 0]], rowsA, sGA)

            s_wait(sSB, rowsB)

            @pl.when(k + 7 < NCHUNK)
            def _():
                i_fetch(k + 7, 3)

            @pl.when(k + 5 < NCHUNK)
            def _():
                i_wait(1)
                pltpu.async_copy(xp_hbm.at[idx.at[1, 0]], rowsB, sGB)

        g_wait(sGA, rowsA)
        pltpu.async_copy(rowsA, acc_sh.at[idx.at[0, 1]], sSA, add=True)
        s_wait(sSA, rowsA)

        plsc.subcore_barrier()

        pltpu.sync_copy(acc_sh.at[pl.ds(r0, RPT)],
                        acc_out.at[cid, pl.ds(r0, RPT)])

    return agg(ei, xp)


def _tc_dense(x, acc, W_self, W_neigh, b2, W_fc, bf2):
    R = 1000

    def body(x_ref, p_ref, ws_ref, wn_ref, b_ref, wf_ref, bf_ref, o_ref):
        dot = functools.partial(jnp.dot,
                                preferred_element_type=jnp.float32,
                                precision=lax.Precision.DEFAULT)
        s = p_ref[0, :, :F] + p_ref[1, :, :F]
        deg = p_ref[0, :, F] + p_ref[1, :, F]
        neigh = s / jnp.maximum(deg, 1.0)[:, None]
        h = dot(x_ref[...], ws_ref[...]) + dot(neigh, wn_ref[...]) + b_ref[...]
        h = jnp.maximum(h, 0.0)
        o_ref[...] = dot(h, wf_ref[...]) + bf_ref[...]

    return pl.pallas_call(
        body,
        grid=(N // R,),
        in_specs=[
            pl.BlockSpec((R, F), lambda i: (i, 0)),
            pl.BlockSpec((NC, R, FP), lambda i: (0, i, 0)),
            pl.BlockSpec((F, H), lambda i: (0, 0)),
            pl.BlockSpec((F, H), lambda i: (0, 0)),
            pl.BlockSpec((1, H), lambda i: (0, 0)),
            pl.BlockSpec((H, C), lambda i: (0, 0)),
            pl.BlockSpec((1, C), lambda i: (0, 0)),
        ],
        out_specs=pl.BlockSpec((R, C), lambda i: (i, 0)),
        out_shape=jax.ShapeDtypeStruct((N, C), jnp.float32),
    )(x, acc, W_self, W_neigh, b2, W_fc, bf2)


def kernel(x, edge_index, W_self, W_neigh, b, W_fc, b_fc):
    xp = jnp.concatenate([x, jnp.ones((N, L), jnp.float32)], axis=1)
    acc = _sc_aggregate(xp, edge_index.astype(jnp.int32))
    return _tc_dense(x, acc, W_self, W_neigh,
                     b.reshape(1, H), W_fc, b_fc.reshape(1, C))

# --- scband reference (transcript-rebuilt; emitter-appended) ---
"""Pipeline reference for scband-sage-26671746908236 (READ-ONLY COPY).

The authoritative reference and input builder live on the scoring server;
editing this copy changes nothing except your own understanding.
"""

import jax, jax.numpy as jnp
import numpy as np

N = 10000
E = 320000
F = 128
H = 128
C = 40

def setup_inputs(seed: int = 0) -> dict:
    key = jax.random.key(seed)
    k_x, k_ei, k_ws, k_wn, k_b, k_wf, k_bf = jax.random.split(key, 7)
    x = jax.random.normal(k_x, (N, F), dtype=jnp.float32)
    edge_index = jax.random.randint(k_ei, (2, E), 0, N, dtype=jnp.int64)
    # SAGEConv (mean aggregator) params: fc_self, fc_neigh (no bias), shared bias
    W_self = jax.random.normal(k_ws, (F, H), dtype=jnp.float32) * (1.0 / np.sqrt(F))
    W_neigh = jax.random.normal(k_wn, (F, H), dtype=jnp.float32) * (1.0 / np.sqrt(F))
    b = jnp.zeros((H,), dtype=jnp.float32)
    # final classifier fc
    W_fc = jax.random.normal(k_wf, (H, C), dtype=jnp.float32) * (1.0 / np.sqrt(H))
    b_fc = jnp.zeros((C,), dtype=jnp.float32)
    return {"x": x, "edge_index": edge_index, "W_self": W_self, "W_neigh": W_neigh, "b": b, "W_fc": W_fc, "b_fc": b_fc}

def reference(x, edge_index, W_self, W_neigh, b, W_fc, b_fc):
    src = edge_index[0]
    dst = edge_index[1]
    # mean aggregation of neighbor features (message passing)
    msg = jnp.take(x, src, axis=0)                      # gather [E, F]
    summed = jax.ops.segment_sum(msg, dst, num_segments=N)
    cnt = jax.ops.segment_sum(jnp.ones((E,), dtype=jnp.float32), dst, num_segments=N)
    neigh = summed / jnp.maximum(cnt, 1.0)[:, None]
    # SAGEConv mean: fc_self(h) + fc_neigh(h_neigh) + bias
    h = x @ W_self + neigh @ W_neigh + b
    # transition: ReLU
    h = jax.nn.relu(h)
    # final linear classifier
    out = h @ W_fc + b_fc
    return out

if __name__ == "__main__":
    import jax
    _d = setup_inputs()
    print(jax.jit(kernel)(*tuple(_d.values())))

</pallas_src>

<mosaic_0001>
#map = affine_map<(d0, d1) -> (0, 0)>
#map1 = affine_map<(d0, d1) -> (0, 0, 0)>
module attributes {stable_mosaic.version = 14 : i64} {
  func.func @agg(%arg0: i32, %arg1: i32, %arg2: memref<2x320000xi32, #tpu.memory_space<hbm>>, %arg3: memref<10000x144xf32, #tpu.memory_space<hbm>>, %arg4: memref<2x10000x144xf32, #tpu.memory_space<hbm>>, %arg5: memref<4x2x80xi32, #tpu.memory_space<vmem>>, %arg6: memref<80x144xf32, #tpu.memory_space<vmem>>, %arg7: memref<80x144xf32, #tpu.memory_space<vmem>>, %arg8: memref<10000x144xf32, #tpu.memory_space<vmem_shared>>, %arg9: memref<!tpu.dma_semaphore, #tpu.memory_space<semaphore_mem>>, %arg10: memref<!tpu.dma_semaphore, #tpu.memory_space<semaphore_mem>>, %arg11: memref<!tpu.dma_semaphore, #tpu.memory_space<semaphore_mem>>, %arg12: memref<!tpu.dma_semaphore, #tpu.memory_space<semaphore_mem>>, %arg13: memref<!tpu.dma_semaphore, #tpu.memory_space<semaphore_mem>>, %arg14: memref<!tpu.dma_semaphore, #tpu.memory_space<semaphore_mem>>, %arg15: memref<!tpu.dma_semaphore, #tpu.memory_space<semaphore_mem>>, %arg16: memref<!tpu.dma_semaphore, #tpu.memory_space<semaphore_mem>>) attributes {dimension_semantics = [#tpu.dimension_semantics<core_parallel>, #tpu.dimension_semantics<subcore_parallel>], iteration_bounds = array<i64: 2, 16>, scalar_prefetch = 0 : i64, scratch_operands = 12 : i64, tpu.core_type = #tpu.core_type<sc_vector_subcore>, window_params = [{transform_indices = #map}, {transform_indices = #map}, {transform_indices = #map1}]} {
    %mul3A = arith.constant 2 : i32
    %mul3A_0 = arith.muli %arg1, %mul3A : i32
    %add3A = arith.addi %mul3A_0, %arg0 : i32
    %broadcast_in_dim3A = arith.constant 0.000000e+00 : f32
    %broadcast_in_dim3A_1 = vector.broadcast %broadcast_in_dim3A : f32 to vector<16xf32>
    %scan3A = arith.constant 0 : i32
    %scan3A_2 = arith.constant 80 : i32
    %scan3A_3 = arith.addi %scan3A, %scan3A_2 : i32
    %scan3A_4 = arith.constant 1 : i32
    scf.for %scan3A_248 = %scan3A to %scan3A_3 step %scan3A_4  : i32 {
      %mul3A_249 = arith.constant 1 : i32
      %mul3A_250 = arith.muli %scan3A_248, %mul3A_249 : i32
      %add3A_251 = arith.constant 0 : i32
      %add3A_252 = arith.addi %add3A_251, %mul3A_250 : i32
      %swap3A = arith.index_cast %add3A_252 : i32 to index
      %swap3A_253 = arith.constant 0 : index
      %swap3A_254 = tpu.vector_load %arg6[%swap3A, %swap3A_253] {strides = array<i32>} : memref<80x144xf32, #tpu.memory_space<vmem>>, vector<1x16xf32>,
      %swap3A_255 = vector.shape_cast %swap3A_254 : vector<1x16xf32> to vector<16xf32>
      %swap3A_256 = vector.shape_cast %broadcast_in_dim3A_1 : vector<16xf32> to vector<1x16xf32>
      tpu.vector_store %arg6[%swap3A, %swap3A_253], %swap3A_256 {strides = array<i32>} : memref<80x144xf32, #tpu.memory_space<vmem>>, vector<1x16xf32>,
      %swap3A_257 = arith.index_cast %add3A_252 : i32 to index
      %swap3A_258 = arith.constant 16 : index
      %swap3A_259 = tpu.vector_load %arg6[%swap3A_257, %swap3A_258] {strides = array<i32>} : memref<80x144xf32, #tpu.memory_space<vmem>>, vector<1x16xf32>,
      %swap3A_260 = vector.shape_cast %swap3A_259 : vector<1x16xf32> to vector<16xf32>
      %swap3A_261 = vector.shape_cast %broadcast_in_dim3A_1 : vector<16xf32> to vector<1x16xf32>
      tpu.vector_store %arg6[%swap3A_257, %swap3A_258], %swap3A_261 {strides = array<i32>} : memref<80x144xf32, #tpu.memory_space<vmem>>, vector<1x16xf32>,
      %swap3A_262 = arith.index_cast %add3A_252 : i32 to index
      %swap3A_263 = arith.constant 32 : index
      %swap3A_264 = tpu.vector_load %arg6[%swap3A_262, %swap3A_263] {strides = array<i32>} : memref<80x144xf32, #tpu.memory_space<vmem>>, vector<1x16xf32>,
      %swap3A_265 = vector.shape_cast %swap3A_264 : vector<1x16xf32> to vector<16xf32>
      %swap3A_266 = vector.shape_cast %broadcast_in_dim3A_1 : vector<16xf32> to vector<1x16xf32>
      tpu.vector_store %arg6[%swap3A_262, %swap3A_263], %swap3A_266 {strides = array<i32>} : memref<80x144xf32, #tpu.memory_space<vmem>>, vector<1x16xf32>,
      %swap3A_267 = arith.index_cast %add3A_252 : i32 to index
      %swap3A_268 = arith.constant 48 : index
      %swap3A_269 = tpu.vector_load %arg6[%swap3A_267, %swap3A_268] {strides = array<i32>} : memref<80x144xf32, #tpu.memory_space<vmem>>, vector<1x16xf32>,
      %swap3A_270 = vector.shape_cast %swap3A_269 : vector<1x16xf32> to vector<16xf32>
      %swap3A_271 = vector.shape_cast %broadcast_in_dim3A_1 : vector<16xf32> to vector<1x16xf32>
      tpu.vector_store %arg6[%swap3A_267, %swap3A_268], %swap3A_271 {strides = array<i32>} : memref<80x144xf32, #tpu.memory_space<vmem>>, vector<1x16xf32>,
      %swap3A_272 = arith.index_cast %add3A_252 : i32 to index
      %swap3A_273 = arith.constant 64 : index
      %swap3A_274 = tpu.vector_load %arg6[%swap3A_272, %swap3A_273] {strides = array<i32>} : memref<80x144xf32, #tpu.memory_space<vmem>>, vector<1x16xf32>,
      %swap3A_275 = vector.shape_cast %swap3A_274 : vector<1x16xf32> to vector<16xf32>
      %swap3A_276 = vector.shape_cast %broadcast_in_dim3A_1 : vector<16xf32> to vector<1x16xf32>
      tpu.vector_store %arg6[%swap3A_272, %swap3A_273], %swap3A_276 {strides = array<i32>} : memref<80x144xf32, #tpu.memory_space<vmem>>, vector<1x16xf32>,
      %swap3A_277 = arith.index_cast %add3A_252 : i32 to index
      %swap3A_278 = arith.constant 80 : index
      %swap3A_279 = tpu.vector_load %arg6[%swap3A_277, %swap3A_278] {strides = array<i32>} : memref<80x144xf32, #tpu.memory_space<vmem>>, vector<1x16xf32>,
      %swap3A_280 = vector.shape_cast %swap3A_279 : vector<1x16xf32> to vector<16xf32>
      %swap3A_281 = vector.shape_cast %broadcast_in_dim3A_1 : vector<16xf32> to vector<1x16xf32>
      tpu.vector_store %arg6[%swap3A_277, %swap3A_278], %swap3A_281 {strides = array<i32>} : memref<80x144xf32, #tpu.memory_space<vmem>>, vector<1x16xf32>,
      %swap3A_282 = arith.index_cast %add3A_252 : i32 to index
      %swap3A_283 = arith.constant 96 : index
      %swap3A_284 = tpu.vector_load %arg6[%swap3A_282, %swap3A_283] {strides = array<i32>} : memref<80x144xf32, #tpu.memory_space<vmem>>, vector<1x16xf32>,
      %swap3A_285 = vector.shape_cast %swap3A_284 : vector<1x16xf32> to vector<16xf32>
      %swap3A_286 = vector.shape_cast %broadcast_in_dim3A_1 : vector<16xf32> to vector<1x16xf32>
      tpu.vector_store %arg6[%swap3A_282, %swap3A_283], %swap3A_286 {strides = array<i32>} : memref<80x144xf32, #tpu.memory_space<vmem>>, vector<1x16xf32>,
      %swap3A_287 = arith.index_cast %add3A_252 : i32 to index
      %swap3A_288 = arith.constant 112 : index
      %swap3A_289 = tpu.vector_load %arg6[%swap3A_287, %swap3A_288] {strides = array<i32>} : memref<80x144xf32, #tpu.memory_space<vmem>>, vector<1x16xf32>,
      %swap3A_290 = vector.shape_cast %swap3A_289 : vector<1x16xf32> to vector<16xf32>
      %swap3A_291 = vector.shape_cast %broadcast_in_dim3A_1 : vector<16xf32> to vector<1x16xf32>
      tpu.vector_store %arg6[%swap3A_287, %swap3A_288], %swap3A_291 {strides = array<i32>} : memref<80x144xf32, #tpu.memory_space<vmem>>, vector<1x16xf32>,
      %swap3A_292 = arith.index_cast %add3A_252 : i32 to index
      %swap3A_293 = arith.constant 128 : index
      %swap3A_294 = tpu.vector_load %arg6[%swap3A_292, %swap3A_293] {strides = array<i32>} : memref<80x144xf32, #tpu.memory_space<vmem>>, vector<1x16xf32>,
      %swap3A_295 = vector.shape_cast %swap3A_294 : vector<1x16xf32> to vector<16xf32>
      %swap3A_296 = vector.shape_cast %broadcast_in_dim3A_1 : vector<16xf32> to vector<1x16xf32>
      tpu.vector_store %arg6[%swap3A_292, %swap3A_293], %swap3A_296 {strides = array<i32>} : memref<80x144xf32, #tpu.memory_space<vmem>>, vector<1x16xf32>,
    }
    %scan3A_5 = arith.constant 80 : i32
    %mul3A_6 = arith.constant 625 : i32
    %mul3A_7 = arith.muli %arg1, %mul3A_6 : i32
    %add3A_8 = arith.constant 0 : i32
    %add3A_9 = arith.addi %mul3A_7, %add3A_8 : i32
    "tpu.region"() ({
      %run_scoped3A = tpu.sem_alloc : memref<!tpu.dma_semaphore, #tpu.memory_space<semaphore_mem>>
      %dma_start3A_248 = arith.constant 0 : i32
      %dma_start3A_249 = tpu.memref_slice %arg8[%add3A_9, %dma_start3A_248] : memref<10000x144xf32, #tpu.memory_space<vmem_shared>> -> memref<80x144xf32, #tpu.memory_space<vmem_shared>>
      %dma_start3A_250 = arith.constant 0 : i32
      %dma_start3A_251 = tpu.memref_slice %arg8[%add3A_9, %dma_start3A_250] : memref<10000x144xf32, #tpu.memory_space<vmem_shared>> -> memref<80x144xf32, #tpu.memory_space<vmem_shared>>
      tpu.enqueue_dma source(%arg6 : memref<80x144xf32, #tpu.memory_space<vmem>>) target(%dma_start3A_251 : memref<80x144xf32, #tpu.memory_space<vmem_shared>>) target_semaphore(%run_scoped3A : memref<!tpu.dma_semaphore, #tpu.memory_space<semaphore_mem>>)
      %dma_wait3A_252 = arith.constant 0 : i32
      %dma_wait3A_253 = tpu.memref_slice %arg8[%add3A_9, %dma_wait3A_252] : memref<10000x144xf32, #tpu.memory_space<vmem_shared>> -> memref<80x144xf32, #tpu.memory_space<vmem_shared>>
      %dma_wait3A_254 = arith.constant 0 : i32
      %dma_wait3A_255 = tpu.memref_slice %arg8[%add3A_9, %dma_wait3A_254] : memref<10000x144xf32, #tpu.memory_space<vmem_shared>> -> memref<80x144xf32, #tpu.memory_space<vmem_shared>>
      tpu.wait_dma2 semaphore(%run_scoped3A : memref<!tpu.dma_semaphore, #tpu.memory_space<semaphore_mem>>) src(%arg6 : memref<80x144xf32, #tpu.memory_space<vmem>>) dst(%dma_wait3A_255 : memref<80x144xf32, #tpu.memory_space<vmem_shared>>)
      tpu.yield
    }) : () -> ()
    %add3A_10 = arith.constant 80 : i32
    %add3A_11 = arith.addi %mul3A_7, %add3A_10 : i32
    "tpu.region"() ({
      %run_scoped3A = tpu.sem_alloc : memref<!tpu.dma_semaphore, #tpu.memory_space<semaphore_mem>>
      %dma_start3A_248 = arith.constant 0 : i32
      %dma_start3A_249 = tpu.memref_slice %arg8[%add3A_11, %dma_start3A_248] : memref<10000x144xf32, #tpu.memory_space<vmem_shared>> -> memref<80x144xf32, #tpu.memory_space<vmem_shared>>
      %dma_start3A_250 = arith.constant 0 : i32
      %dma_start3A_251 = tpu.memref_slice %arg8[%add3A_11, %dma_start3A_250] : memref<10000x144xf32, #tpu.memory_space<vmem_shared>> -> memref<80x144xf32, #tpu.memory_space<vmem_shared>>
      tpu.enqueue_dma source(%arg6 : memref<80x144xf32, #tpu.memory_space<vmem>>) target(%dma_start3A_251 : memref<80x144xf32, #tpu.memory_space<vmem_shared>>) target_semaphore(%run_scoped3A : memref<!tpu.dma_semaphore, #tpu.memory_space<semaphore_mem>>)
      %dma_wait3A_252 = arith.constant 0 : i32
      %dma_wait3A_253 = tpu.memref_slice %arg8[%add3A_11, %dma_wait3A_252] : memref<10000x144xf32, #tpu.memory_space<vmem_shared>> -> memref<80x144xf32, #tpu.memory_space<vmem_shared>>
      %dma_wait3A_254 = arith.constant 0 : i32
      %dma_wait3A_255 = tpu.memref_slice %arg8[%add3A_11, %dma_wait3A_254] : memref<10000x144xf32, #tpu.memory_space<vmem_shared>> -> memref<80x144xf32, #tpu.memory_space<vmem_shared>>
      tpu.wait_dma2 semaphore(%run_scoped3A : memref<!tpu.dma_semaphore, #tpu.memory_space<semaphore_mem>>) src(%arg6 : memref<80x144xf32, #tpu.memory_space<vmem>>) dst(%dma_wait3A_255 : memref<80x144xf32, #tpu.memory_space<vmem_shared>>)
      tpu.yield
    }) : () -> ()
    %add3A_12 = arith.constant 160 : i32
    %add3A_13 = arith.addi %mul3A_7, %add3A_12 : i32
    "tpu.region"() ({
      %run_scoped3A = tpu.sem_alloc : memref<!tpu.dma_semaphore, #tpu.memory_space<semaphore_mem>>
      %dma_start3A_248 = arith.constant 0 : i32
      %dma_start3A_249 = tpu.memref_slice %arg8[%add3A_13, %dma_start3A_248] : memref<10000x144xf32, #tpu.memory_space<vmem_shared>> -> memref<80x144xf32, #tpu.memory_space<vmem_shared>>
      %dma_start3A_250 = arith.constant 0 : i32
      %dma_start3A_251 = tpu.memref_slice %arg8[%add3A_13, %dma_start3A_250] : memref<10000x144xf32, #tpu.memory_space<vmem_shared>> -> memref<80x144xf32, #tpu.memory_space<vmem_shared>>
      tpu.enqueue_dma source(%arg6 : memref<80x144xf32, #tpu.memory_space<vmem>>) target(%dma_start3A_251 : memref<80x144xf32, #tpu.memory_space<vmem_shared>>) target_semaphore(%run_scoped3A : memref<!tpu.dma_semaphore, #tpu.memory_space<semaphore_mem>>)
      %dma_wait3A_252 = arith.constant 0 : i32
      %dma_wait3A_253 = tpu.memref_slice %arg8[%add3A_13, %dma_wait3A_252] : memref<10000x144xf32, #tpu.memory_space<vmem_shared>> -> memref<80x144xf32, #tpu.memory_space<vmem_shared>>
      %dma_wait3A_254 = arith.constant 0 : i32
      %dma_wait3A_255 = tpu.memref_slice %arg8[%add3A_13, %dma_wait3A_254] : memref<10000x144xf32, #tpu.memory_space<vmem_shared>> -> memref<80x144xf32, #tpu.memory_space<vmem_shared>>
      tpu.wait_dma2 semaphore(%run_scoped3A : memref<!tpu.dma_semaphore, #tpu.memory_space<semaphore_mem>>) src(%arg6 : memref<80x144xf32, #tpu.memory_space<vmem>>) dst(%dma_wait3A_255 : memref<80x144xf32, #tpu.memory_space<vmem_shared>>)
      tpu.yield
    }) : () -> ()
    %add3A_14 = arith.constant 240 : i32
    %add3A_15 = arith.addi %mul3A_7, %add3A_14 : i32
    "tpu.region"() ({
      %run_scoped3A = tpu.sem_alloc : memref<!tpu.dma_semaphore, #tpu.memory_space<semaphore_mem>>
      %dma_start3A_248 = arith.constant 0 : i32
      %dma_start3A_249 = tpu.memref_slice %arg8[%add3A_15, %dma_start3A_248] : memref<10000x144xf32, #tpu.memory_space<vmem_shared>> -> memref<80x144xf32, #tpu.memory_space<vmem_shared>>
      %dma_start3A_250 = arith.constant 0 : i32
      %dma_start3A_251 = tpu.memref_slice %arg8[%add3A_15, %dma_start3A_250] : memref<10000x144xf32, #tpu.memory_space<vmem_shared>> -> memref<80x144xf32, #tpu.memory_space<vmem_shared>>
      tpu.enqueue_dma source(%arg6 : memref<80x144xf32, #tpu.memory_space<vmem>>) target(%dma_start3A_251 : memref<80x144xf32, #tpu.memory_space<vmem_shared>>) target_semaphore(%run_scoped3A : memref<!tpu.dma_semaphore, #tpu.memory_space<semaphore_mem>>)
      %dma_wait3A_252 = arith.constant 0 : i32
      %dma_wait3A_253 = tpu.memref_slice %arg8[%add3A_15, %dma_wait3A_252] : memref<10000x144xf32, #tpu.memory_space<vmem_shared>> -> memref<80x144xf32, #tpu.memory_space<vmem_shared>>
      %dma_wait3A_254 = arith.constant 0 : i32
      %dma_wait3A_255 = tpu.memref_slice %arg8[%add3A_15, %dma_wait3A_254] : memref<10000x144xf32, #tpu.memory_space<vmem_shared>> -> memref<80x144xf32, #tpu.memory_space<vmem_shared>>
      tpu.wait_dma2 semaphore(%run_scoped3A : memref<!tpu.dma_semaphore, #tpu.memory_space<semaphore_mem>>) src(%arg6 : memref<80x144xf32, #tpu.memory_space<vmem>>) dst(%dma_wait3A_255 : memref<80x144xf32, #tpu.memory_space<vmem_shared>>)
      tpu.yield
    }) : () -> ()
    %add3A_16 = arith.constant 320 : i32
    %add3A_17 = arith.addi %mul3A_7, %add3A_16 : i32
    "tpu.region"() ({
      %run_scoped3A = tpu.sem_alloc : memref<!tpu.dma_semaphore, #tpu.memory_space<semaphore_mem>>
      %dma_start3A_248 = arith.constant 0 : i32
      %dma_start3A_249 = tpu.memref_slice %arg8[%add3A_17, %dma_start3A_248] : memref<10000x144xf32, #tpu.memory_space<vmem_shared>> -> memref<80x144xf32, #tpu.memory_space<vmem_shared>>
      %dma_start3A_250 = arith.constant 0 : i32
      %dma_start3A_251 = tpu.memref_slice %arg8[%add3A_17, %dma_start3A_250] : memref<10000x144xf32, #tpu.memory_space<vmem_shared>> -> memref<80x144xf32, #tpu.memory_space<vmem_shared>>
      tpu.enqueue_dma source(%arg6 : memref<80x144xf32, #tpu.memory_space<vmem>>) target(%dma_start3A_251 : memref<80x144xf32, #tpu.memory_space<vmem_shared>>) target_semaphore(%run_scoped3A : memref<!tpu.dma_semaphore, #tpu.memory_space<semaphore_mem>>)
      %dma_wait3A_252 = arith.constant 0 : i32
      %dma_wait3A_253 = tpu.memref_slice %arg8[%add3A_17, %dma_wait3A_252] : memref<10000x144xf32, #tpu.memory_space<vmem_shared>> -> memref<80x144xf32, #tpu.memory_space<vmem_shared>>
      %dma_wait3A_254 = arith.constant 0 : i32
      %dma_wait3A_255 = tpu.memref_slice %arg8[%add3A_17, %dma_wait3A_254] : memref<10000x144xf32, #tpu.memory_space<vmem_shared>> -> memref<80x144xf32, #tpu.memory_space<vmem_shared>>
      tpu.wait_dma2 semaphore(%run_scoped3A : memref<!tpu.dma_semaphore, #tpu.memory_space<semaphore_mem>>) src(%arg6 : memref<80x144xf32, #tpu.memory_space<vmem>>) dst(%dma_wait3A_255 : memref<80x144xf32, #tpu.memory_space<vmem_shared>>)
      tpu.yield
    }) : () -> ()
    %add3A_18 = arith.constant 400 : i32
    %add3A_19 = arith.addi %mul3A_7, %add3A_18 : i32
    "tpu.region"() ({
      %run_scoped3A = tpu.sem_alloc : memref<!tpu.dma_semaphore, #tpu.memory_space<semaphore_mem>>
      %dma_start3A_248 = arith.constant 0 : i32
      %dma_start3A_249 = tpu.memref_slice %arg8[%add3A_19, %dma_start3A_248] : memref<10000x144xf32, #tpu.memory_space<vmem_shared>> -> memref<80x144xf32, #tpu.memory_space<vmem_shared>>
      %dma_start3A_250 = arith.constant 0 : i32
      %dma_start3A_251 = tpu.memref_slice %arg8[%add3A_19, %dma_start3A_250] : memref<10000x144xf32, #tpu.memory_space<vmem_shared>> -> memref<80x144xf32, #tpu.memory_space<vmem_shared>>
      tpu.enqueue_dma source(%arg6 : memref<80x144xf32, #tpu.memory_space<vmem>>) target(%dma_start3A_251 : memref<80x144xf32, #tpu.memory_space<vmem_shared>>) target_semaphore(%run_scoped3A : memref<!tpu.dma_semaphore, #tpu.memory_space<semaphore_mem>>)
      %dma_wait3A_252 = arith.constant 0 : i32
      %dma_wait3A_253 = tpu.memref_slice %arg8[%add3A_19, %dma_wait3A_252] : memref<10000x144xf32, #tpu.memory_space<vmem_shared>> -> memref<80x144xf32, #tpu.memory_space<vmem_shared>>
      %dma_wait3A_254 = arith.constant 0 : i32
      %dma_wait3A_255 = tpu.memref_slice %arg8[%add3A_19, %dma_wait3A_254] : memref<10000x144xf32, #tpu.memory_space<vmem_shared>> -> memref<80x144xf32, #tpu.memory_space<vmem_shared>>
      tpu.wait_dma2 semaphore(%run_scoped3A : memref<!tpu.dma_semaphore, #tpu.memory_space<semaphore_mem>>) src(%arg6 : memref<80x144xf32, #tpu.memory_space<vmem>>) dst(%dma_wait3A_255 : memref<80x144xf32, #tpu.memory_space<vmem_shared>>)
      tpu.yield
    }) : () -> ()
    %add3A_20 = arith.constant 480 : i32
    %add3A_21 = arith.addi %mul3A_7, %add3A_20 : i32
    "tpu.region"() ({
      %run_scoped3A = tpu.sem_alloc : memref<!tpu.dma_semaphore, #tpu.memory_space<semaphore_mem>>
      %dma_start3A_248 = arith.constant 0 : i32
      %dma_start3A_249 = tpu.memref_slice %arg8[%add3A_21, %dma_start3A_248] : memref<10000x144xf32, #tpu.memory_space<vmem_shared>> -> memref<80x144xf32, #tpu.memory_space<vmem_shared>>
      %dma_start3A_250 = arith.constant 0 : i32
      %dma_start3A_251 = tpu.memref_slice %arg8[%add3A_21, %dma_start3A_250] : memref<10000x144xf32, #tpu.memory_space<vmem_shared>> -> memref<80x144xf32, #tpu.memory_space<vmem_shared>>
      tpu.enqueue_dma source(%arg6 : memref<80x144xf32, #tpu.memory_space<vmem>>) target(%dma_start3A_251 : memref<80x144xf32, #tpu.memory_space<vmem_shared>>) target_semaphore(%run_scoped3A : memref<!tpu.dma_semaphore, #tpu.memory_space<semaphore_mem>>)
      %dma_wait3A_252 = arith.constant 0 : i32
      %dma_wait3A_253 = tpu.memref_slice %arg8[%add3A_21, %dma_wait3A_252] : memref<10000x144xf32, #tpu.memory_space<vmem_shared>> -> memref<80x144xf32, #tpu.memory_space<vmem_shared>>
      %dma_wait3A_254 = arith.constant 0 : i32
      %dma_wait3A_255 = tpu.memref_slice %arg8[%add3A_21, %dma_wait3A_254] : memref<10000x144xf32, #tpu.memory_space<vmem_shared>> -> memref<80x144xf32, #tpu.memory_space<vmem_shared>>
      tpu.wait_dma2 semaphore(%run_scoped3A : memref<!tpu.dma_semaphore, #tpu.memory_space<semaphore_mem>>) src(%arg6 : memref<80x144xf32, #tpu.memory_space<vmem>>) dst(%dma_wait3A_255 : memref<80x144xf32, #tpu.memory_space<vmem_shared>>)
      tpu.yield
    }) : () -> ()
    %add3A_22 = arith.constant 560 : i32
    %add3A_23 = arith.addi %mul3A_7, %add3A_22 : i32
    "tpu.region"() ({
      %run_scoped3A = tpu.sem_alloc : memref<!tpu.dma_semaphore, #tpu.memory_space<semaphore_mem>>
      %dma_start3A_248 = arith.constant 0 : i32
      %dma_start3A_249 = arith.constant 0 : i32
      %dma_start3A_250 = tpu.memref_slice %arg6[%dma_start3A_248, %dma_start3A_249] : memref<80x144xf32, #tpu.memory_space<vmem>> -> memref<65x144xf32, #tpu.memory_space<vmem>>
      %dma_start3A_251 = arith.constant 0 : i32
      %dma_start3A_252 = tpu.memref_slice %arg8[%add3A_23, %dma_start3A_251] : memref<10000x144xf32, #tpu.memory_space<vmem_shared>> -> memref<65x144xf32, #tpu.memory_space<vmem_shared>>
      %dma_start3A_253 = arith.constant 0 : i32
      %dma_start3A_254 = tpu.memref_slice %arg8[%add3A_23, %dma_start3A_253] : memref<10000x144xf32, #tpu.memory_space<vmem_shared>> -> memref<65x144xf32, #tpu.memory_space<vmem_shared>>
      %dma_start3A_255 = arith.constant 0 : i32
      %dma_start3A_256 = arith.constant 0 : i32
      %dma_start3A_257 = tpu.memref_slice %arg6[%dma_start3A_255, %dma_start3A_256] : memref<80x144xf32, #tpu.memory_space<vmem>> -> memref<65x144xf32, #tpu.memory_space<vmem>>
      tpu.enqueue_dma source(%dma_start3A_257 : memref<65x144xf32, #tpu.memory_space<vmem>>) target(%dma_start3A_254 : memref<65x144xf32, #tpu.memory_space<vmem_shared>>) target_semaphore(%run_scoped3A : memref<!tpu.dma_semaphore, #tpu.memory_space<semaphore_mem>>)
      %dma_wait3A_258 = arith.constant 0 : i32
      %dma_wait3A_259 = arith.constant 0 : i32
      %dma_wait3A_260 = tpu.memref_slice %arg6[%dma_wait3A_258, %dma_wait3A_259] : memref<80x144xf32, #tpu.memory_space<vmem>> -> memref<65x144xf32, #tpu.memory_space<vmem>>
      %dma_wait3A_261 = arith.constant 0 : i32
      %dma_wait3A_262 = tpu.memref_slice %arg8[%add3A_23, %dma_wait3A_261] : memref<10000x144xf32, #tpu.memory_space<vmem_shared>> -> memref<65x144xf32, #tpu.memory_space<vmem_shared>>
      %dma_wait3A_263 = arith.constant 0 : i32
      %dma_wait3A_264 = tpu.memref_slice %arg8[%add3A_23, %dma_wait3A_263] : memref<10000x144xf32, #tpu.memory_space<vmem_shared>> -> memref<65x144xf32, #tpu.memory_space<vmem_shared>>
      %dma_wait3A_265 = arith.constant 0 : i32
      %dma_wait3A_266 = arith.constant 0 : i32
      %dma_wait3A_267 = tpu.memref_slice %arg6[%dma_wait3A_265, %dma_wait3A_266] : memref<80x144xf32, #tpu.memory_space<vmem>> -> memref<65x144xf32, #tpu.memory_space<vmem>>
      tpu.wait_dma2 semaphore(%run_scoped3A : memref<!tpu.dma_semaphore, #tpu.memory_space<semaphore_mem>>) src(%dma_wait3A_267 : memref<65x144xf32, #tpu.memory_space<vmem>>) dst(%dma_wait3A_264 : memref<65x144xf32, #tpu.memory_space<vmem_shared>>)
      tpu.yield
    }) : () -> ()
    %mul3A_24 = arith.constant 10000 : i32
    %mul3A_25 = arith.muli %add3A, %mul3A_24 : i32
    %add3A_26 = arith.constant 0 : i32
    %add3A_27 = arith.addi %mul3A_25, %add3A_26 : i32
    %dma_start3A = arith.constant 0 : i32
    %dma_start3A_28 = arith.constant 0 : i32
    %dma_start3A_29 = arith.constant 0 : i32
    %dma_start3A_30 = arith.constant 0 : i32
    %dma_start3A_31 = tpu.memref_slice %arg5[%dma_start3A_28, %dma_start3A_29, %dma_start3A_30] : memref<4x2x80xi32, #tpu.memory_space<vmem>> -> memref<1x1x80xi32, #tpu.memory_space<vmem>>
    %dma_start3A_32 = tpu.memref_squeeze %dma_start3A_31 : memref<1x1x80xi32, #tpu.memory_space<vmem>> -> memref<80xi32, #tpu.memory_space<vmem>>
    %dma_start3A_33 = tpu.memref_slice %arg2[%dma_start3A, %add3A_27] : memref<2x320000xi32, #tpu.memory_space<hbm>> -> memref<1x80xi32, #tpu.memory_space<hbm>>
    %dma_start3A_34 = tpu.memref_squeeze %dma_start3A_33 : memref<1x80xi32, #tpu.memory_space<hbm>> -> memref<80xi32, #tpu.memory_space<hbm>>
    %dma_start3A_35 = arith.constant 0 : i32
    %dma_start3A_36 = tpu.memref_slice %arg5[%dma_start3A_28, %dma_start3A_29, %dma_start3A_35] : memref<4x2x80xi32, #tpu.memory_space<vmem>> -> memref<1x1x80xi32, #tpu.memory_space<vmem>>
    %dma_start3A_37 = tpu.memref_squeeze %dma_start3A_36 : memref<1x1x80xi32, #tpu.memory_space<vmem>> -> memref<80xi32, #tpu.memory_space<vmem>>
    %dma_start3A_38 = tpu.memref_slice %arg2[%dma_start3A, %add3A_27] : memref<2x320000xi32, #tpu.memory_space<hbm>> -> memref<1x80xi32, #tpu.memory_space<hbm>>
    %dma_start3A_39 = tpu.memref_squeeze %dma_start3A_38 : memref<1x80xi32, #tpu.memory_space<hbm>> -> memref<80xi32, #tpu.memory_space<hbm>>
    tpu.enqueue_dma source(%dma_start3A_39 : memref<80xi32, #tpu.memory_space<hbm>>) target(%dma_start3A_37 : memref<80xi32, #tpu.memory_space<vmem>>) target_semaphore(%arg13 : memref<!tpu.dma_semaphore, #tpu.memory_space<semaphore_mem>>)
    %dma_start3A_40 = arith.constant 1 : i32
    %dma_start3A_41 = arith.constant 0 : i32
    %dma_start3A_42 = arith.constant 1 : i32
    %dma_start3A_43 = arith.constant 0 : i32
    %dma_start3A_44 = tpu.memref_slice %arg5[%dma_start3A_41, %dma_start3A_42, %dma_start3A_43] : memref<4x2x80xi32, #tpu.memory_space<vmem>> -> memref<1x1x80xi32, #tpu.memory_space<vmem>>
    %dma_start3A_45 = tpu.memref_squeeze %dma_start3A_44 : memref<1x1x80xi32, #tpu.memory_space<vmem>> -> memref<80xi32, #tpu.memory_space<vmem>>
    %dma_start3A_46 = tpu.memref_slice %arg2[%dma_start3A_40, %add3A_27] : memref<2x320000xi32, #tpu.memory_space<hbm>> -> memref<1x80xi32, #tpu.memory_space<hbm>>
    %dma_start3A_47 = tpu.memref_squeeze %dma_start3A_46 : memref<1x80xi32, #tpu.memory_space<hbm>> -> memref<80xi32, #tpu.memory_space<hbm>>
    %dma_start3A_48 = arith.constant 0 : i32
    %dma_start3A_49 = tpu.memref_slice %arg5[%dma_start3A_41, %dma_start3A_42, %dma_start3A_48] : memref<4x2x80xi32, #tpu.memory_space<vmem>> -> memref<1x1x80xi32, #tpu.memory_space<vmem>>
    %dma_start3A_50 = tpu.memref_squeeze %dma_start3A_49 : memref<1x1x80xi32, #tpu.memory_space<vmem>> -> memref<80xi32, #tpu.memory_space<vmem>>
    %dma_start3A_51 = tpu.memref_slice %arg2[%dma_start3A_40, %add3A_27] : memref<2x320000xi32, #tpu.memory_space<hbm>> -> memref<1x80xi32, #tpu.memory_space<hbm>>
    %dma_start3A_52 = tpu.memref_squeeze %dma_start3A_51 : memref<1x80xi32, #tpu.memory_space<hbm>> -> memref<80xi32, #tpu.memory_space<hbm>>
    tpu.enqueue_dma source(%dma_start3A_52 : memref<80xi32, #tpu.memory_space<hbm>>) target(%dma_start3A_50 : memref<80xi32, #tpu.memory_space<vmem>>) target_semaphore(%arg13 : memref<!tpu.dma_semaphore, #tpu.memory_space<semaphore_mem>>)
    %mul3A_53 = arith.constant 10000 : i32
    %mul3A_54 = arith.muli %add3A, %mul3A_53 : i32
    %add3A_55 = arith.constant 80 : i32
    %add3A_56 = arith.addi %mul3A_54, %add3A_55 : i32
    %dma_start3A_57 = arith.constant 0 : i32
    %dma_start3A_58 = arith.constant 1 : i32
    %dma_start3A_59 = arith.constant 0 : i32
    %dma_start3A_60 = arith.constant 0 : i32
    %dma_start3A_61 = tpu.memref_slice %arg5[%dma_start3A_58, %dma_start3A_59, %dma_start3A_60] : memref<4x2x80xi32, #tpu.memory_space<vmem>> -> memref<1x1x80xi32, #tpu.memory_space<vmem>>
    %dma_start3A_62 = tpu.memref_squeeze %dma_start3A_61 : memref<1x1x80xi32, #tpu.memory_space<vmem>> -> memref<80xi32, #tpu.memory_space<vmem>>
    %dma_start3A_63 = tpu.memref_slice %arg2[%dma_start3A_57, %add3A_56] : memref<2x320000xi32, #tpu.memory_space<hbm>> -> memref<1x80xi32, #tpu.memory_space<hbm>>
    %dma_start3A_64 = tpu.memref_squeeze %dma_start3A_63 : memref<1x80xi32, #tpu.memory_space<hbm>> -> memref<80xi32, #tpu.memory_space<hbm>>
    %dma_start3A_65 = arith.constant 0 : i32
    %dma_start3A_66 = tpu.memref_slice %arg5[%dma_start3A_58, %dma_start3A_59, %dma_start3A_65] : memref<4x2x80xi32, #tpu.memory_space<vmem>> -> memref<1x1x80xi32, #tpu.memory_space<vmem>>
    %dma_start3A_67 = tpu.memref_squeeze %dma_start3A_66 : memref<1x1x80xi32, #tpu.memory_space<vmem>> -> memref<80xi32, #tpu.memory_space<vmem>>
    %dma_start3A_68 = tpu.memref_slice %arg2[%dma_start3A_57, %add3A_56] : memref<2x320000xi32, #tpu.memory_space<hbm>> -> memref<1x80xi32, #tpu.memory_space<hbm>>
    %dma_start3A_69 = tpu.memref_squeeze %dma_start3A_68 : memref<1x80xi32, #tpu.memory_space<hbm>> -> memref<80xi32, #tpu.memory_space<hbm>>
    tpu.enqueue_dma source(%dma_start3A_69 : memref<80xi32, #tpu.memory_space<hbm>>) target(%dma_start3A_67 : memref<80xi32, #tpu.memory_space<vmem>>) target_semaphore(%arg14 : memref<!tpu.dma_semaphore, #tpu.memory_space<semaphore_mem>>)
    %dma_start3A_70 = arith.constant 1 : i32
    %dma_start3A_71 = arith.constant 1 : i32
    %dma_start3A_72 = arith.constant 1 : i32
    %dma_start3A_73 = arith.constant 0 : i32
    %dma_start3A_74 = tpu.memref_slice %arg5[%dma_start3A_71, %dma_start3A_72, %dma_start3A_73] : memref<4x2x80xi32, #tpu.memory_space<vmem>> -> memref<1x1x80xi32, #tpu.memory_space<vmem>>
    %dma_start3A_75 = tpu.memref_squeeze %dma_start3A_74 : memref<1x1x80xi32, #tpu.memory_space<vmem>> -> memref<80xi32, #tpu.memory_space<vmem>>
    %dma_start3A_76 = tpu.memref_slice %arg2[%dma_start3A_70, %add3A_56] : memref<2x320000xi32, #tpu.memory_space<hbm>> -> memref<1x80xi32, #tpu.memory_space<hbm>>
    %dma_start3A_77 = tpu.memref_squeeze %dma_start3A_76 : memref<1x80xi32, #tpu.memory_space<hbm>> -> memref<80xi32, #tpu.memory_space<hbm>>
    %dma_start3A_78 = arith.constant 0 : i32
    %dma_start3A_79 = tpu.memref_slice %arg5[%dma_start3A_71, %dma_start3A_72, %dma_start3A_78] : memref<4x2x80xi32, #tpu.memory_space<vmem>> -> memref<1x1x80xi32, #tpu.memory_space<vmem>>
    %dma_start3A_80 = tpu.memref_squeeze %dma_start3A_79 : memref<1x1x80xi32, #tpu.memory_space<vmem>> -> memref<80xi32, #tpu.memory_space<vmem>>
    %dma_start3A_81 = tpu.memref_slice %arg2[%dma_start3A_70, %add3A_56] : memref<2x320000xi32, #tpu.memory_space<hbm>> -> memref<1x80xi32, #tpu.memory_space<hbm>>
    %dma_start3A_82 = tpu.memref_squeeze %dma_start3A_81 : memref<1x80xi32, #tpu.memory_space<hbm>> -> memref<80xi32, #tpu.memory_space<hbm>>
    tpu.enqueue_dma source(%dma_start3A_82 : memref<80xi32, #tpu.memory_space<hbm>>) target(%dma_start3A_80 : memref<80xi32, #tpu.memory_space<vmem>>) target_semaphore(%arg14 : memref<!tpu.dma_semaphore, #tpu.memory_space<semaphore_mem>>)
    %mul3A_83 = arith.constant 10000 : i32
    %mul3A_84 = arith.muli %add3A, %mul3A_83 : i32
    %add3A_85 = arith.constant 160 : i32
    %add3A_86 = arith.addi %mul3A_84, %add3A_85 : i32
    %dma_start3A_87 = arith.constant 0 : i32
    %dma_start3A_88 = arith.constant 2 : i32
    %dma_start3A_89 = arith.constant 0 : i32
    %dma_start3A_90 = arith.constant 0 : i32
    %dma_start3A_91 = tpu.memref_slice %arg5[%dma_start3A_88, %dma_start3A_89, %dma_start3A_90] : memref<4x2x80xi32, #tpu.memory_space<vmem>> -> memref<1x1x80xi32, #tpu.memory_space<vmem>>
    %dma_start3A_92 = tpu.memref_squeeze %dma_start3A_91 : memref<1x1x80xi32, #tpu.memory_space<vmem>> -> memref<80xi32, #tpu.memory_space<vmem>>
    %dma_start3A_93 = tpu.memref_slice %arg2[%dma_start3A_87, %add3A_86] : memref<2x320000xi32, #tpu.memory_space<hbm>> -> memref<1x80xi32, #tpu.memory_space<hbm>>
    %dma_start3A_94 = tpu.memref_squeeze %dma_start3A_93 : memref<1x80xi32, #tpu.memory_space<hbm>> -> memref<80xi32, #tpu.memory_space<hbm>>
    %dma_start3A_95 = arith.constant 0 : i32
    %dma_start3A_96 = tpu.memref_slice %arg5[%dma_start3A_88, %dma_start3A_89, %dma_start3A_95] : memref<4x2x80xi32, #tpu.memory_space<vmem>> -> memref<1x1x80xi32, #tpu.memory_space<vmem>>
    %dma_start3A_97 = tpu.memref_squeeze %dma_start3A_96 : memref<1x1x80xi32, #tpu.memory_space<vmem>> -> memref<80xi32, #tpu.memory_space<vmem>>
    %dma_start3A_98 = tpu.memref_slice %arg2[%dma_start3A_87, %add3A_86] : memref<2x320000xi32, #tpu.memory_space<hbm>> -> memref<1x80xi32, #tpu.memory_space<hbm>>
    %dma_start3A_99 = tpu.memref_squeeze %dma_start3A_98 : memref<1x80xi32, #tpu.memory_space<hbm>> -> memref<80xi32, #tpu.memory_space<hbm>>
    tpu.enqueue_dma source(%dma_start3A_99 : memref<80xi32, #tpu.memory_space<hbm>>) target(%dma_start3A_97 : memref<80xi32, #tpu.memory_space<vmem>>) target_semaphore(%arg15 : memref<!tpu.dma_semaphore, #tpu.memory_space<semaphore_mem>>)
    %dma_start3A_100 = arith.constant 1 : i32
    %dma_start3A_101 = arith.constant 2 : i32
    %dma_start3A_102 = arith.constant 1 : i32
    %dma_start3A_103 = arith.constant 0 : i32
    %dma_start3A_104 = tpu.memref_slice %arg5[%dma_start3A_101, %dma_start3A_102, %dma_start3A_103] : memref<4x2x80xi32, #tpu.memory_space<vmem>> -> memref<1x1x80xi32, #tpu.memory_space<vmem>>
    %dma_start3A_105 = tpu.memref_squeeze %dma_start3A_104 : memref<1x1x80xi32, #tpu.memory_space<vmem>> -> memref<80xi32, #tpu.memory_space<vmem>>
    %dma_start3A_106 = tpu.memref_slice %arg2[%dma_start3A_100, %add3A_86] : memref<2x320000xi32, #tpu.memory_space<hbm>> -> memref<1x80xi32, #tpu.memory_space<hbm>>
    %dma_start3A_107 = tpu.memref_squeeze %dma_start3A_106 : memref<1x80xi32, #tpu.memory_space<hbm>> -> memref<80xi32, #tpu.memory_space<hbm>>
    %dma_start3A_108 = arith.constant 0 : i32
    %dma_start3A_109 = tpu.memref_slice %arg5[%dma_start3A_101, %dma_start3A_102, %dma_start3A_108] : memref<4x2x80xi32, #tpu.memory_space<vmem>> -> memref<1x1x80xi32, #tpu.memory_space<vmem>>
    %dma_start3A_110 = tpu.memref_squeeze %dma_start3A_109 : memref<1x1x80xi32, #tpu.memory_space<vmem>> -> memref<80xi32, #tpu.memory_space<vmem>>
    %dma_start3A_111 = tpu.memref_slice %arg2[%dma_start3A_100, %add3A_86] : memref<2x320000xi32, #tpu.memory_space<hbm>> -> memref<1x80xi32, #tpu.memory_space<hbm>>
    %dma_start3A_112 = tpu.memref_squeeze %dma_start3A_111 : memref<1x80xi32, #tpu.memory_space<hbm>> -> memref<80xi32, #tpu.memory_space<hbm>>
    tpu.enqueue_dma source(%dma_start3A_112 : memref<80xi32, #tpu.memory_space<hbm>>) target(%dma_start3A_110 : memref<80xi32, #tpu.memory_space<vmem>>) target_semaphore(%arg15 : memref<!tpu.dma_semaphore, #tpu.memory_space<semaphore_mem>>)
    %mul3A_113 = arith.constant 10000 : i32
    %mul3A_114 = arith.muli %add3A, %mul3A_113 : i32
    %add3A_115 = arith.constant 240 : i32
    %add3A_116 = arith.addi %mul3A_114, %add3A_115 : i32
    %dma_start3A_117 = arith.constant 0 : i32
    %dma_start3A_118 = arith.constant 3 : i32
    %dma_start3A_119 = arith.constant 0 : i32
    %dma_start3A_120 = arith.constant 0 : i32
    %dma_start3A_121 = tpu.memref_slice %arg5[%dma_start3A_118, %dma_start3A_119, %dma_start3A_120] : memref<4x2x80xi32, #tpu.memory_space<vmem>> -> memref<1x1x80xi32, #tpu.memory_space<vmem>>
    %dma_start3A_122 = tpu.memref_squeeze %dma_start3A_121 : memref<1x1x80xi32, #tpu.memory_space<vmem>> -> memref<80xi32, #tpu.memory_space<vmem>>
    %dma_start3A_123 = tpu.memref_slice %arg2[%dma_start3A_117, %add3A_116] : memref<2x320000xi32, #tpu.memory_space<hbm>> -> memref<1x80xi32, #tpu.memory_space<hbm>>
    %dma_start3A_124 = tpu.memref_squeeze %dma_start3A_123 : memref<1x80xi32, #tpu.memory_space<hbm>> -> memref<80xi32, #tpu.memory_space<hbm>>
    %dma_start3A_125 = arith.constant 0 : i32
    %dma_start3A_126 = tpu.memref_slice %arg5[%dma_start3A_118, %dma_start3A_119, %dma_start3A_125] : memref<4x2x80xi32, #tpu.memory_space<vmem>> -> memref<1x1x80xi32, #tpu.memory_space<vmem>>
    %dma_start3A_127 = tpu.memref_squeeze %dma_start3A_126 : memref<1x1x80xi32, #tpu.memory_space<vmem>> -> memref<80xi32, #tpu.memory_space<vmem>>
    %dma_start3A_128 = tpu.memref_slice %arg2[%dma_start3A_117, %add3A_116] : memref<2x320000xi32, #tpu.memory_space<hbm>> -> memref<1x80xi32, #tpu.memory_space<hbm>>
    %dma_start3A_129 = tpu.memref_squeeze %dma_start3A_128 : memref<1x80xi32, #tpu.memory_space<hbm>> -> memref<80xi32, #tpu.memory_space<hbm>>
    tpu.enqueue_dma source(%dma_start3A_129 : memref<80xi32, #tpu.memory_space<hbm>>) target(%dma_start3A_127 : memref<80xi32, #tpu.memory_space<vmem>>) target_semaphore(%arg16 : memref<!tpu.dma_semaphore, #tpu.memory_space<semaphore_mem>>)
    %dma_start3A_130 = arith.constant 1 : i32
    %dma_start3A_131 = arith.constant 3 : i32
    %dma_start3A_132 = arith.constant 1 : i32
    %dma_start3A_133 = arith.constant 0 : i32
    %dma_start3A_134 = tpu.memref_slice %arg5[%dma_start3A_131, %dma_start3A_132, %dma_start3A_133] : memref<4x2x80xi32, #tpu.memory_space<vmem>> -> memref<1x1x80xi32, #tpu.memory_space<vmem>>
    %dma_start3A_135 = tpu.memref_squeeze %dma_start3A_134 : memref<1x1x80xi32, #tpu.memory_space<vmem>> -> memref<80xi32, #tpu.memory_space<vmem>>
    %dma_start3A_136 = tpu.memref_slice %arg2[%dma_start3A_130, %add3A_116] : memref<2x320000xi32, #tpu.memory_space<hbm>> -> memref<1x80xi32, #tpu.memory_space<hbm>>
    %dma_start3A_137 = tpu.memref_squeeze %dma_start3A_136 : memref<1x80xi32, #tpu.memory_space<hbm>> -> memref<80xi32, #tpu.memory_space<hbm>>
    %dma_start3A_138 = arith.constant 0 : i32
    %dma_start3A_139 = tpu.memref_slice %arg5[%dma_start3A_131, %dma_start3A_132, %dma_start3A_138] : memref<4x2x80xi32, #tpu.memory_space<vmem>> -> memref<1x1x80xi32, #tpu.memory_space<vmem>>
    %dma_start3A_140 = tpu.memref_squeeze %dma_start3A_139 : memref<1x1x80xi32, #tpu.memory_space<vmem>> -> memref<80xi32, #tpu.memory_space<vmem>>
    %dma_start3A_141 = tpu.memref_slice %arg2[%dma_start3A_130, %add3A_116] : memref<2x320000xi32, #tpu.memory_space<hbm>> -> memref<1x80xi32, #tpu.memory_space<hbm>>
    %dma_start3A_142 = tpu.memref_squeeze %dma_start3A_141 : memref<1x80xi32, #tpu.memory_space<hbm>> -> memref<80xi32, #tpu.memory_space<hbm>>
    tpu.enqueue_dma source(%dma_start3A_142 : memref<80xi32, #tpu.memory_space<hbm>>) target(%dma_start3A_140 : memref<80xi32, #tpu.memory_space<vmem>>) target_semaphore(%arg16 : memref<!tpu.dma_semaphore, #tpu.memory_space<semaphore_mem>>)
    %dma_wait3A = arith.constant 0 : i32
    %dma_wait3A_143 = arith.constant 0 : i32
    %dma_wait3A_144 = arith.constant 0 : i32
    %dma_wait3A_145 = arith.constant 0 : i32
    %dma_wait3A_146 = tpu.memref_slice %arg5[%dma_wait3A_143, %dma_wait3A_144, %dma_wait3A_145] : memref<4x2x80xi32, #tpu.memory_space<vmem>> -> memref<1x1x80xi32, #tpu.memory_space<vmem>>
    %dma_wait3A_147 = tpu.memref_squeeze %dma_wait3A_146 : memref<1x1x80xi32, #tpu.memory_space<vmem>> -> memref<80xi32, #tpu.memory_space<vmem>>
    %dma_wait3A_148 = arith.constant 0 : i32
    %dma_wait3A_149 = tpu.memref_slice %arg2[%dma_wait3A, %dma_wait3A_148] : memref<2x320000xi32, #tpu.memory_space<hbm>> -> memref<1x80xi32, #tpu.memory_space<hbm>>
    %dma_wait3A_150 = tpu.memref_squeeze %dma_wait3A_149 : memref<1x80xi32, #tpu.memory_space<hbm>> -> memref<80xi32, #tpu.memory_space<hbm>>
    %dma_wait3A_151 = arith.constant 0 : i32
    %dma_wait3A_152 = tpu.memref_slice %arg5[%dma_wait3A_143, %dma_wait3A_144, %dma_wait3A_151] : memref<4x2x80xi32, #tpu.memory_space<vmem>> -> memref<1x1x80xi32, #tpu.memory_space<vmem>>
    %dma_wait3A_153 = tpu.memref_squeeze %dma_wait3A_152 : memref<1x1x80xi32, #tpu.memory_space<vmem>> -> memref<80xi32, #tpu.memory_space<vmem>>
    %dma_wait3A_154 = arith.constant 0 : i32
    %dma_wait3A_155 = tpu.memref_slice %arg2[%dma_wait3A, %dma_wait3A_154] : memref<2x320000xi32, #tpu.memory_space<hbm>> -> memref<1x80xi32, #tpu.memory_space<hbm>>
    %dma_wait3A_156 = tpu.memref_squeeze %dma_wait3A_155 : memref<1x80xi32, #tpu.memory_space<hbm>> -> memref<80xi32, #tpu.memory_space<hbm>>
    tpu.wait_dma2 semaphore(%arg13 : memref<!tpu.dma_semaphore, #tpu.memory_space<semaphore_mem>>) src(%dma_wait3A_156 : memref<80xi32, #tpu.memory_space<hbm>>) dst(%dma_wait3A_153 : memref<80xi32, #tpu.memory_space<vmem>>)
    %dma_wait3A_157 = arith.constant 0 : i32
    %dma_wait3A_158 = arith.constant 0 : i32
    %dma_wait3A_159 = arith.constant 1 : i32
    %dma_wait3A_160 = arith.constant 0 : i32
    %dma_wait3A_161 = tpu.memref_slice %arg5[%dma_wait3A_158, %dma_wait3A_159, %dma_wait3A_160] : memref<4x2x80xi32, #tpu.memory_space<vmem>> -> memref<1x1x80xi32, #tpu.memory_space<vmem>>
    %dma_wait3A_162 = tpu.memref_squeeze %dma_wait3A_161 : memref<1x1x80xi32, #tpu.memory_space<vmem>> -> memref<80xi32, #tpu.memory_space<vmem>>
    %dma_wait3A_163 = arith.constant 0 : i32
    %dma_wait3A_164 = tpu.memref_slice %arg2[%dma_wait3A_157, %dma_wait3A_163] : memref<2x320000xi32, #tpu.memory_space<hbm>> -> memref<1x80xi32, #tpu.memory_space<hbm>>
    %dma_wait3A_165 = tpu.memref_squeeze %dma_wait3A_164 : memref<1x80xi32, #tpu.memory_space<hbm>> -> memref<80xi32, #tpu.memory_space<hbm>>
    %dma_wait3A_166 = arith.constant 0 : i32
    %dma_wait3A_167 = tpu.memref_slice %arg5[%dma_wait3A_158, %dma_wait3A_159, %dma_wait3A_166] : memref<4x2x80xi32, #tpu.memory_space<vmem>> -> memref<1x1x80xi32, #tpu.memory_space<vmem>>
    %dma_wait3A_168 = tpu.memref_squeeze %dma_wait3A_167 : memref<1x1x80xi32, #tpu.memory_space<vmem>> -> memref<80xi32, #tpu.memory_space<vmem>>
    %dma_wait3A_169 = arith.constant 0 : i32
    %dma_wait3A_170 = tpu.memref_slice %arg2[%dma_wait3A_157, %dma_wait3A_169] : memref<2x320000xi32, #tpu.memory_space<hbm>> -> memref<1x80xi32, #tpu.memory_space<hbm>>
    %dma_wait3A_171 = tpu.memref_squeeze %dma_wait3A_170 : memref<1x80xi32, #tpu.memory_space<hbm>> -> memref<80xi32, #tpu.memory_space<hbm>>
    tpu.wait_dma2 semaphore(%arg13 : memref<!tpu.dma_semaphore, #tpu.memory_space<semaphore_mem>>) src(%dma_wait3A_171 : memref<80xi32, #tpu.memory_space<hbm>>) dst(%dma_wait3A_168 : memref<80xi32, #tpu.memory_space<vmem>>)
    %dma_start3A_172 = arith.constant 0 : i32
    %dma_start3A_173 = arith.constant 0 : i32
    %dma_start3A_174 = arith.constant 0 : i32
    %dma_start3A_175 = tpu.memref_slice %arg5[%dma_start3A_172, %dma_start3A_173, %dma_start3A_174] : memref<4x2x80xi32, #tpu.memory_space<vmem>> -> memref<1x1x80xi32, #tpu.memory_space<vmem>>
    %dma_start3A_176 = tpu.memref_squeeze %dma_start3A_175 : memref<1x1x80xi32, #tpu.memory_space<vmem>> -> memref<80xi32, #tpu.memory_space<vmem>>
    %dma_start3A_177 = arith.constant 0 : i32
    %dma_start3A_178 = arith.constant 0 : i32
    %dma_start3A_179 = tpu.memref_slice %arg3[%dma_start3A_177, %dma_start3A_178] : memref<10000x144xf32, #tpu.memory_space<hbm>> -> memref<10000x144xf32, #tpu.memory_space<hbm>>
    tpu.enqueue_indirect_dma source(%dma_start3A_179 : memref<10000x144xf32, #tpu.memory_space<hbm>>) target(%arg6 : memref<80x144xf32, #tpu.memory_space<vmem>>) offsets(%dma_start3A_176 : memref<80xi32, #tpu.memory_space<vmem>>) semaphore(%arg9 : memref<!tpu.dma_semaphore, #tpu.memory_space<semaphore_mem>>)
    %dma_wait3A_180 = arith.constant 0 : i32
    %dma_wait3A_181 = arith.constant 1 : i32
    %dma_wait3A_182 = arith.constant 0 : i32
    %dma_wait3A_183 = arith.constant 0 : i32
    %dma_wait3A_184 = tpu.memref_slice %arg5[%dma_wait3A_181, %dma_wait3A_182, %dma_wait3A_183] : memref<4x2x80xi32, #tpu.memory_space<vmem>> -> memref<1x1x80xi32, #tpu.memory_space<vmem>>
    %dma_wait3A_185 = tpu.memref_squeeze %dma_wait3A_184 : memref<1x1x80xi32, #tpu.memory_space<vmem>> -> memref<80xi32, #tpu.memory_space<vmem>>
    %dma_wait3A_186 = arith.constant 0 : i32
    %dma_wait3A_187 = tpu.memref_slice %arg2[%dma_wait3A_180, %dma_wait3A_186] : memref<2x320000xi32, #tpu.memory_space<hbm>> -> memref<1x80xi32, #tpu.memory_space<hbm>>
    %dma_wait3A_188 = tpu.memref_squeeze %dma_wait3A_187 : memref<1x80xi32, #tpu.memory_space<hbm>> -> memref<80xi32, #tpu.memory_space<hbm>>
    %dma_wait3A_189 = arith.constant 0 : i32
    %dma_wait3A_190 = tpu.memref_slice %arg5[%dma_wait3A_181, %dma_wait3A_182, %dma_wait3A_189] : memref<4x2x80xi32, #tpu.memory_space<vmem>> -> memref<1x1x80xi32, #tpu.memory_space<vmem>>
    %dma_wait3A_191 = tpu.memref_squeeze %dma_wait3A_190 : memref<1x1x80xi32, #tpu.memory_space<vmem>> -> memref<80xi32, #tpu.memory_space<vmem>>
    %dma_wait3A_192 = arith.constant 0 : i32
    %dma_wait3A_193 = tpu.memref_slice %arg2[%dma_wait3A_180, %dma_wait3A_192] : memref<2x320000xi32, #tpu.memory_space<hbm>> -> memref<1x80xi32, #tpu.memory_space<hbm>>
    %dma_wait3A_194 = tpu.memref_squeeze %dma_wait3A_193 : memref<1x80xi32, #tpu.memory_space<hbm>> -> memref<80xi32, #tpu.memory_space<hbm>>
    tpu.wait_dma2 semaphore(%arg14 : memref<!tpu.dma_semaphore, #tpu.memory_space<semaphore_mem>>) src(%dma_wait3A_194 : memref<80xi32, #tpu.memory_space<hbm>>) dst(%dma_wait3A_191 : memref<80xi32, #tpu.memory_space<vmem>>)
    %dma_wait3A_195 = arith.constant 0 : i32
    %dma_wait3A_196 = arith.constant 1 : i32
    %dma_wait3A_197 = arith.constant 1 : i32
    %dma_wait3A_198 = arith.constant 0 : i32
    %dma_wait3A_199 = tpu.memref_slice %arg5[%dma_wait3A_196, %dma_wait3A_197, %dma_wait3A_198] : memref<4x2x80xi32, #tpu.memory_space<vmem>> -> memref<1x1x80xi32, #tpu.memory_space<vmem>>
    %dma_wait3A_200 = tpu.memref_squeeze %dma_wait3A_199 : memref<1x1x80xi32, #tpu.memory_space<vmem>> -> memref<80xi32, #tpu.memory_space<vmem>>
    %dma_wait3A_201 = arith.constant 0 : i32
    %dma_wait3A_202 = tpu.memref_slice %arg2[%dma_wait3A_195, %dma_wait3A_201] : memref<2x320000xi32, #tpu.memory_space<hbm>> -> memref<1x80xi32, #tpu.memory_space<hbm>>
    %dma_wait3A_203 = tpu.memref_squeeze %dma_wait3A_202 : memref<1x80xi32, #tpu.memory_space<hbm>> -> memref<80xi32, #tpu.memory_space<hbm>>
    %dma_wait3A_204 = arith.constant 0 : i32
    %dma_wait3A_205 = tpu.memref_slice %arg5[%dma_wait3A_196, %dma_wait3A_197, %dma_wait3A_204] : memref<4x2x80xi32, #tpu.memory_space<vmem>> -> memref<1x1x80xi32, #tpu.memory_space<vmem>>
    %dma_wait3A_206 = tpu.memref_squeeze %dma_wait3A_205 : memref<1x1x80xi32, #tpu.memory_space<vmem>> -> memref<80xi32, #tpu.memory_space<vmem>>
    %dma_wait3A_207 = arith.constant 0 : i32
    %dma_wait3A_208 = tpu.memref_slice %arg2[%dma_wait3A_195, %dma_wait3A_207] : memref<2x320000xi32, #tpu.memory_space<hbm>> -> memref<1x80xi32, #tpu.memory_space<hbm>>
    %dma_wait3A_209 = tpu.memref_squeeze %dma_wait3A_208 : memref<1x80xi32, #tpu.memory_space<hbm>> -> memref<80xi32, #tpu.memory_space<hbm>>
    tpu.wait_dma2 semaphore(%arg14 : memref<!tpu.dma_semaphore, #tpu.memory_space<semaphore_mem>>) src(%dma_wait3A_209 : memref<80xi32, #tpu.memory_space<hbm>>) dst(%dma_wait3A_206 : memref<80xi32, #tpu.memory_space<vmem>>)
    %dma_start3A_210 = arith.constant 1 : i32
    %dma_start3A_211 = arith.constant 0 : i32
    %dma_start3A_212 = arith.constant 0 : i32
    %dma_start3A_213 = tpu.memref_slice %arg5[%dma_start3A_210, %dma_start3A_211, %dma_start3A_212] : memref<4x2x80xi32, #tpu.memory_space<vmem>> -> memref<1x1x80xi32, #tpu.memory_space<vmem>>
    %dma_start3A_214 = tpu.memref_squeeze %dma_start3A_213 : memref<1x1x80xi32, #tpu.memory_space<vmem>> -> memref<80xi32, #tpu.memory_space<vmem>>
    %dma_start3A_215 = arith.constant 0 : i32
    %dma_start3A_216 = arith.constant 0 : i32
    %dma_start3A_217 = tpu.memref_slice %arg3[%dma_start3A_215, %dma_start3A_216] : memref<10000x144xf32, #tpu.memory_space<hbm>> -> memref<10000x144xf32, #tpu.memory_space<hbm>>
    tpu.enqueue_indirect_dma source(%dma_start3A_217 : memref<10000x144xf32, #tpu.memory_space<hbm>>) target(%arg7 : memref<80x144xf32, #tpu.memory_space<vmem>>) offsets(%dma_start3A_214 : memref<80xi32, #tpu.memory_space<vmem>>) semaphore(%arg10 : memref<!tpu.dma_semaphore, #tpu.memory_space<semaphore_mem>>)
    %barrier3A = arith.constant 0 : index
    tpu.barrier barrier_id(%barrier3A)
    %scan3A_218 = arith.constant 0 : i32
    %scan3A_219 = arith.constant 31 : i32
    %scan3A_220 = arith.addi %scan3A_218, %scan3A_219 : i32
    %scan3A_221 = arith.constant 1 : i32
    scf.for %scan3A_248 = %scan3A_218 to %scan3A_220 step %scan3A_221  : i32 {
      %mul3A_249 = arith.constant 4 : i32
      %mul3A_250 = arith.muli %scan3A_248, %mul3A_249 : i32
      %add3A_251 = arith.constant 0 : i32
      %add3A_252 = arith.addi %add3A_251, %mul3A_250 : i32
      %dma_wait3A_253 = arith.constant 0 : i32
      %dma_wait3A_254 = arith.constant 0 : i32
      %dma_wait3A_255 = arith.constant 0 : i32
      %dma_wait3A_256 = tpu.memref_slice %arg5[%dma_wait3A_253, %dma_wait3A_254, %dma_wait3A_255] : memref<4x2x80xi32, #tpu.memory_space<vmem>> -> memref<1x1x80xi32, #tpu.memory_space<vmem>>
      %dma_wait3A_257 = tpu.memref_squeeze %dma_wait3A_256 : memref<1x1x80xi32, #tpu.memory_space<vmem>> -> memref<80xi32, #tpu.memory_space<vmem>>
      %dma_wait3A_258 = arith.constant 0 : i32
      %dma_wait3A_259 = arith.constant 0 : i32
      %dma_wait3A_260 = tpu.memref_slice %arg3[%dma_wait3A_258, %dma_wait3A_259] : memref<10000x144xf32, #tpu.memory_space<hbm>> -> memref<10000x144xf32, #tpu.memory_space<hbm>>
      tpu.wait_indirect_dma semaphore(%arg9 : memref<!tpu.dma_semaphore, #tpu.memory_space<semaphore_mem>>) src(%dma_wait3A_260 : memref<10000x144xf32, #tpu.memory_space<hbm>>) dst(%arg6 : memref<80x144xf32, #tpu.memory_space<vmem>>)
      %dma_start3A_261 = arith.constant 0 : i32
      %dma_start3A_262 = arith.constant 1 : i32
      %dma_start3A_263 = arith.constant 0 : i32
      %dma_start3A_264 = tpu.memref_slice %arg5[%dma_start3A_261, %dma_start3A_262, %dma_start3A_263] : memref<4x2x80xi32, #tpu.memory_space<vmem>> -> memref<1x1x80xi32, #tpu.memory_space<vmem>>
      %dma_start3A_265 = tpu.memref_squeeze %dma_start3A_264 : memref<1x1x80xi32, #tpu.memory_space<vmem>> -> memref<80xi32, #tpu.memory_space<vmem>>
      %dma_start3A_266 = arith.constant 0 : i32
      %dma_start3A_267 = arith.constant 0 : i32
      %dma_start3A_268 = tpu.memref_slice %arg8[%dma_start3A_266, %dma_start3A_267] : memref<10000x144xf32, #tpu.memory_space<vmem_shared>> -> memref<10000x144xf32, #tpu.memory_space<vmem_shared>>
      tpu.enqueue_indirect_dma source(%arg6 : memref<80x144xf32, #tpu.memory_space<vmem>>) target(%dma_start3A_268 : memref<10000x144xf32, #tpu.memory_space<vmem_shared>>) offsets(%dma_start3A_265 : memref<80xi32, #tpu.memory_space<vmem>>) semaphore(%arg11 : memref<!tpu.dma_semaphore, #tpu.memory_space<semaphore_mem>>) {add = true}
      %dma_wait3A_269 = arith.constant 0 : i32
      %dma_wait3A_270 = arith.constant 0 : i32
      %dma_wait3A_271 = arith.constant 0 : i32
      %dma_wait3A_272 = tpu.memref_slice %arg5[%dma_wait3A_269, %dma_wait3A_270, %dma_wait3A_271] : memref<4x2x80xi32, #tpu.memory_space<vmem>> -> memref<1x1x80xi32, #tpu.memory_space<vmem>>
      %dma_wait3A_273 = tpu.memref_squeeze %dma_wait3A_272 : memref<1x1x80xi32, #tpu.memory_space<vmem>> -> memref<80xi32, #tpu.memory_space<vmem>>
      %dma_wait3A_274 = arith.constant 0 : i32
      %dma_wait3A_275 = arith.constant 0 : i32
      %dma_wait3A_276 = tpu.memref_slice %arg3[%dma_wait3A_274, %dma_wait3A_275] : memref<10000x144xf32, #tpu.memory_space<hbm>> -> memref<10000x144xf32, #tpu.memory_space<hbm>>
      tpu.wait_indirect_dma semaphore(%arg10 : memref<!tpu.dma_semaphore, #tpu.memory_space<semaphore_mem>>) src(%dma_wait3A_276 : memref<10000x144xf32, #tpu.memory_space<hbm>>) dst(%arg7 : memref<80x144xf32, #tpu.memory_space<vmem>>)
      %dma_start3A_277 = arith.constant 1 : i32
      %dma_start3A_278 = arith.constant 1 : i32
      %dma_start3A_279 = arith.constant 0 : i32
      %dma_start3A_280 = tpu.memref_slice %arg5[%dma_start3A_277, %dma_start3A_278, %dma_start3A_279] : memref<4x2x80xi32, #tpu.memory_space<vmem>> -> memref<1x1x80xi32, #tpu.memory_space<vmem>>
      %dma_start3A_281 = tpu.memref_squeeze %dma_start3A_280 : memref<1x1x80xi32, #tpu.memory_space<vmem>> -> memref<80xi32, #tpu.memory_space<vmem>>
      %dma_start3A_282 = arith.constant 0 : i32
      %dma_start3A_283 = arith.constant 0 : i32
      %dma_start3A_284 = tpu.memref_slice %arg8[%dma_start3A_282, %dma_start3A_283] : memref<10000x144xf32, #tpu.memory_space<vmem_shared>> -> memref<10000x144xf32, #tpu.memory_space<vmem_shared>>
      tpu.enqueue_indirect_dma source(%arg7 : memref<80x144xf32, #tpu.memory_space<vmem>>) target(%dma_start3A_284 : memref<10000x144xf32, #tpu.memory_space<vmem_shared>>) offsets(%dma_start3A_281 : memref<80xi32, #tpu.memory_space<vmem>>) semaphore(%arg12 : memref<!tpu.dma_semaphore, #tpu.memory_space<semaphore_mem>>) {add = true}
      %dma_wait3A_285 = arith.constant 0 : i32
      %dma_wait3A_286 = arith.constant 1 : i32
      %dma_wait3A_287 = arith.constant 0 : i32
      %dma_wait3A_288 = tpu.memref_slice %arg5[%dma_wait3A_285, %dma_wait3A_286, %dma_wait3A_287] : memref<4x2x80xi32, #tpu.memory_space<vmem>> -> memref<1x1x80xi32, #tpu.memory_space<vmem>>
      %dma_wait3A_289 = tpu.memref_squeeze %dma_wait3A_288 : memref<1x1x80xi32, #tpu.memory_space<vmem>> -> memref<80xi32, #tpu.memory_space<vmem>>
      %dma_wait3A_290 = arith.constant 0 : i32
      %dma_wait3A_291 = arith.constant 0 : i32
      %dma_wait3A_292 = tpu.memref_slice %arg8[%dma_wait3A_290, %dma_wait3A_291] : memref<10000x144xf32, #tpu.memory_space<vmem_shared>> -> memref<10000x144xf32, #tpu.memory_space<vmem_shared>>
      tpu.wait_indirect_dma semaphore(%arg11 : memref<!tpu.dma_semaphore, #tpu.memory_space<semaphore_mem>>) src(%arg6 : memref<80x144xf32, #tpu.memory_space<vmem>>) dst(%dma_wait3A_292 : memref<10000x144xf32, #tpu.memory_space<vmem_shared>>)
      %add3A_293 = arith.constant 4 : i32
      %add3A_294 = arith.addi %add3A_252, %add3A_293 : i32
      %lt3A = arith.constant 125 : i32
      %lt3A_295 = arith.cmpi slt, %add3A_294, %lt3A : i32
      %convert_element_type3A = arith.extui %lt3A_295 : i1 to i32
      %cond3A = arith.constant 0 : i32
      %cond3A_296 = arith.cmpi ne, %convert_element_type3A, %cond3A : i32
      scf.if %cond3A_296 {
        %add3A_464 = arith.constant 4 : i32
        %add3A_465 = arith.addi %add3A_252, %add3A_464 : i32
        %mul3A_466 = arith.constant 10000 : i32
        %mul3A_467 = arith.muli %add3A, %mul3A_466 : i32
        %mul3A_468 = arith.constant 80 : i32
        %mul3A_469 = arith.muli %add3A_465, %mul3A_468 : i32
        %add3A_470 = arith.addi %mul3A_467, %mul3A_469 : i32
        %dma_start3A_471 = arith.constant 0 : i32
        %dma_start3A_472 = arith.constant 0 : i32
        %dma_start3A_473 = arith.constant 0 : i32
        %dma_start3A_474 = arith.constant 0 : i32
        %dma_start3A_475 = tpu.memref_slice %arg5[%dma_start3A_472, %dma_start3A_473, %dma_start3A_474] : memref<4x2x80xi32, #tpu.memory_space<vmem>> -> memref<1x1x80xi32, #tpu.memory_space<vmem>>
        %dma_start3A_476 = tpu.memref_squeeze %dma_start3A_475 : memref<1x1x80xi32, #tpu.memory_space<vmem>> -> memref<80xi32, #tpu.memory_space<vmem>>
        %dma_start3A_477 = tpu.memref_slice %arg2[%dma_start3A_471, %add3A_470] : memref<2x320000xi32, #tpu.memory_space<hbm>> -> memref<1x80xi32, #tpu.memory_space<hbm>>
        %dma_start3A_478 = tpu.memref_squeeze %dma_start3A_477 : memref<1x80xi32, #tpu.memory_space<hbm>> -> memref<80xi32, #tpu.memory_space<hbm>>
        %dma_start3A_479 = arith.constant 0 : i32
        %dma_start3A_480 = tpu.memref_slice %arg5[%dma_start3A_472, %dma_start3A_473, %dma_start3A_479] : memref<4x2x80xi32, #tpu.memory_space<vmem>> -> memref<1x1x80xi32, #tpu.memory_space<vmem>>
        %dma_start3A_481 = tpu.memref_squeeze %dma_start3A_480 : memref<1x1x80xi32, #tpu.memory_space<vmem>> -> memref<80xi32, #tpu.memory_space<vmem>>
        %dma_start3A_482 = tpu.memref_slice %arg2[%dma_start3A_471, %add3A_470] : memref<2x320000xi32, #tpu.memory_space<hbm>> -> memref<1x80xi32, #tpu.memory_space<hbm>>
        %dma_start3A_483 = tpu.memref_squeeze %dma_start3A_482 : memref<1x80xi32, #tpu.memory_space<hbm>> -> memref<80xi32, #tpu.memory_space<hbm>>
        tpu.enqueue_dma source(%dma_start3A_483 : memref<80xi32, #tpu.memory_space<hbm>>) target(%dma_start3A_481 : memref<80xi32, #tpu.memory_space<vmem>>) target_semaphore(%arg13 : memref<!tpu.dma_semaphore, #tpu.memory_space<semaphore_mem>>)
        %dma_start3A_484 = arith.constant 1 : i32
        %dma_start3A_485 = arith.constant 0 : i32
        %dma_start3A_486 = arith.constant 1 : i32
        %dma_start3A_487 = arith.constant 0 : i32
        %dma_start3A_488 = tpu.memref_slice %arg5[%dma_start3A_485, %dma_start3A_486, %dma_start3A_487] : memref<4x2x80xi32, #tpu.memory_space<vmem>> -> memref<1x1x80xi32, #tpu.memory_space<vmem>>
        %dma_start3A_489 = tpu.memref_squeeze %dma_start3A_488 : memref<1x1x80xi32, #tpu.memory_space<vmem>> -> memref<80xi32, #tpu.memory_space<vmem>>
        %dma_start3A_490 = tpu.memref_slice %arg2[%dma_start3A_484, %add3A_470] : memref<2x320000xi32, #tpu.memory_space<hbm>> -> memref<1x80xi32, #tpu.memory_space<hbm>>
        %dma_start3A_491 = tpu.memref_squeeze %dma_start3A_490 : memref<1x80xi32, #tpu.memory_space<hbm>> -> memref<80xi32, #tpu.memory_space<hbm>>
        %dma_start3A_492 = arith.constant 0 : i32
        %dma_start3A_493 = tpu.memref_slice %arg5[%dma_start3A_485, %dma_start3A_486, %dma_start3A_492] : memref<4x2x80xi32, #tpu.memory_space<vmem>> -> memref<1x1x80xi32, #tpu.memory_space<vmem>>
        %dma_start3A_494 = tpu.memref_squeeze %dma_start3A_493 : memref<1x1x80xi32, #tpu.memory_space<vmem>> -> memref<80xi32, #tpu.memory_space<vmem>>
        %dma_start3A_495 = tpu.memref_slice %arg2[%dma_start3A_484, %add3A_470] : memref<2x320000xi32, #tpu.memory_space<hbm>> -> memref<1x80xi32, #tpu.memory_space<hbm>>
        %dma_start3A_496 = tpu.memref_squeeze %dma_start3A_495 : memref<1x80xi32, #tpu.memory_space<hbm>> -> memref<80xi32, #tpu.memory_space<hbm>>
        tpu.enqueue_dma source(%dma_start3A_496 : memref<80xi32, #tpu.memory_space<hbm>>) target(%dma_start3A_494 : memref<80xi32, #tpu.memory_space<vmem>>) target_semaphore(%arg13 : memref<!tpu.dma_semaphore, #tpu.memory_space<semaphore_mem>>)
      } else {
      }
      %dma_wait3A_297 = arith.constant 0 : i32
      %dma_wait3A_298 = arith.constant 2 : i32
      %dma_wait3A_299 = arith.constant 0 : i32
      %dma_wait3A_300 = arith.constant 0 : i32
      %dma_wait3A_301 = tpu.memref_slice %arg5[%dma_wait3A_298, %dma_wait3A_299, %dma_wait3A_300] : memref<4x2x80xi32, #tpu.memory_space<vmem>> -> memref<1x1x80xi32, #tpu.memory_space<vmem>>
      %dma_wait3A_302 = tpu.memref_squeeze %dma_wait3A_301 : memref<1x1x80xi32, #tpu.memory_space<vmem>> -> memref<80xi32, #tpu.memory_space<vmem>>
      %dma_wait3A_303 = arith.constant 0 : i32
      %dma_wait3A_304 = tpu.memref_slice %arg2[%dma_wait3A_297, %dma_wait3A_303] : memref<2x320000xi32, #tpu.memory_space<hbm>> -> memref<1x80xi32, #tpu.memory_space<hbm>>
      %dma_wait3A_305 = tpu.memref_squeeze %dma_wait3A_304 : memref<1x80xi32, #tpu.memory_space<hbm>> -> memref<80xi32, #tpu.memory_space<hbm>>
      %dma_wait3A_306 = arith.constant 0 : i32
      %dma_wait3A_307 = tpu.memref_slice %arg5[%dma_wait3A_298, %dma_wait3A_299, %dma_wait3A_306] : memref<4x2x80xi32, #tpu.memory_space<vmem>> -> memref<1x1x80xi32, #tpu.memory_space<vmem>>
      %dma_wait3A_308 = tpu.memref_squeeze %dma_wait3A_307 : memref<1x1x80xi32, #tpu.memory_space<vmem>> -> memref<80xi32, #tpu.memory_space<vmem>>
      %dma_wait3A_309 = arith.constant 0 : i32
      %dma_wait3A_310 = tpu.memref_slice %arg2[%dma_wait3A_297, %dma_wait3A_309] : memref<2x320000xi32, #tpu.memory_space<hbm>> -> memref<1x80xi32, #tpu.memory_space<hbm>>
      %dma_wait3A_311 = tpu.memref_squeeze %dma_wait3A_310 : memref<1x80xi32, #tpu.memory_space<hbm>> -> memref<80xi32, #tpu.memory_space<hbm>>
      tpu.wait_dma2 semaphore(%arg15 : memref<!tpu.dma_semaphore, #tpu.memory_space<semaphore_mem>>) src(%dma_wait3A_311 : memref<80xi32, #tpu.memory_space<hbm>>) dst(%dma_wait3A_308 : memref<80xi32, #tpu.memory_space<vmem>>)
      %dma_wait3A_312 = arith.constant 0 : i32
      %dma_wait3A_313 = arith.constant 2 : i32
      %dma_wait3A_314 = arith.constant 1 : i32
      %dma_wait3A_315 = arith.constant 0 : i32
      %dma_wait3A_316 = tpu.memref_slice %arg5[%dma_wait3A_313, %dma_wait3A_314, %dma_wait3A_315] : memref<4x2x80xi32, #tpu.memory_space<vmem>> -> memref<1x1x80xi32, #tpu.memory_space<vmem>>
      %dma_wait3A_317 = tpu.memref_squeeze %dma_wait3A_316 : memref<1x1x80xi32, #tpu.memory_space<vmem>> -> memref<80xi32, #tpu.memory_space<vmem>>
      %dma_wait3A_318 = arith.constant 0 : i32
      %dma_wait3A_319 = tpu.memref_slice %arg2[%dma_wait3A_312, %dma_wait3A_318] : memref<2x320000xi32, #tpu.memory_space<hbm>> -> memref<1x80xi32, #tpu.memory_space<hbm>>
      %dma_wait3A_320 = tpu.memref_squeeze %dma_wait3A_319 : memref<1x80xi32, #tpu.memory_space<hbm>> -> memref<80xi32, #tpu.memory_space<hbm>>
      %dma_wait3A_321 = arith.constant 0 : i32
      %dma_wait3A_322 = tpu.memref_slice %arg5[%dma_wait3A_313, %dma_wait3A_314, %dma_wait3A_321] : memref<4x2x80xi32, #tpu.memory_space<vmem>> -> memref<1x1x80xi32, #tpu.memory_space<vmem>>
      %dma_wait3A_323 = tpu.memref_squeeze %dma_wait3A_322 : memref<1x1x80xi32, #tpu.memory_space<vmem>> -> memref<80xi32, #tpu.memory_space<vmem>>
      %dma_wait3A_324 = arith.constant 0 : i32
      %dma_wait3A_325 = tpu.memref_slice %arg2[%dma_wait3A_312, %dma_wait3A_324] : memref<2x320000xi32, #tpu.memory_space<hbm>> -> memref<1x80xi32, #tpu.memory_space<hbm>>
      %dma_wait3A_326 = tpu.memref_squeeze %dma_wait3A_325 : memref<1x80xi32, #tpu.memory_space<hbm>> -> memref<80xi32, #tpu.memory_space<hbm>>
      tpu.wait_dma2 semaphore(%arg15 : memref<!tpu.dma_semaphore, #tpu.memory_space<semaphore_mem>>) src(%dma_wait3A_326 : memref<80xi32, #tpu.memory_space<hbm>>) dst(%dma_wait3A_323 : memref<80xi32, #tpu.memory_space<vmem>>)
      %dma_start3A_327 = arith.constant 2 : i32
      %dma_start3A_328 = arith.constant 0 : i32
      %dma_start3A_329 = arith.constant 0 : i32
      %dma_start3A_330 = tpu.memref_slice %arg5[%dma_start3A_327, %dma_start3A_328, %dma_start3A_329] : memref<4x2x80xi32, #tpu.memory_space<vmem>> -> memref<1x1x80xi32, #tpu.memory_space<vmem>>
      %dma_start3A_331 = tpu.memref_squeeze %dma_start3A_330 : memref<1x1x80xi32, #tpu.memory_space<vmem>> -> memref<80xi32, #tpu.memory_space<vmem>>
      %dma_start3A_332 = arith.constant 0 : i32
      %dma_start3A_333 = arith.constant 0 : i32
      %dma_start3A_334 = tpu.memref_slice %arg3[%dma_start3A_332, %dma_start3A_333] : memref<10000x144xf32, #tpu.memory_space<hbm>> -> memref<10000x144xf32, #tpu.memory_space<hbm>>
      tpu.enqueue_indirect_dma source(%dma_start3A_334 : memref<10000x144xf32, #tpu.memory_space<hbm>>) target(%arg6 : memref<80x144xf32, #tpu.memory_space<vmem>>) offsets(%dma_start3A_331 : memref<80xi32, #tpu.memory_space<vmem>>) semaphore(%arg9 : memref<!tpu.dma_semaphore, #tpu.memory_space<semaphore_mem>>)
      %dma_wait3A_335 = arith.constant 0 : i32
      %dma_wait3A_336 = arith.constant 1 : i32
      %dma_wait3A_337 = arith.constant 0 : i32
      %dma_wait3A_338 = tpu.memref_slice %arg5[%dma_wait3A_335, %dma_wait3A_336, %dma_wait3A_337] : memref<4x2x80xi32, #tpu.memory_space<vmem>> -> memref<1x1x80xi32, #tpu.memory_space<vmem>>
      %dma_wait3A_339 = tpu.memref_squeeze %dma_wait3A_338 : memref<1x1x80xi32, #tpu.memory_space<vmem>> -> memref<80xi32, #tpu.memory_space<vmem>>
      %dma_wait3A_340 = arith.constant 0 : i32
      %dma_wait3A_341 = arith.constant 0 : i32
      %dma_wait3A_342 = tpu.memref_slice %arg8[%dma_wait3A_340, %dma_wait3A_341] : memref<10000x144xf32, #tpu.memory_space<vmem_shared>> -> memref<10000x144xf32, #tpu.memory_space<vmem_shared>>
      tpu.wait_indirect_dma semaphore(%arg12 : memref<!tpu.dma_semaphore, #tpu.memory_space<semaphore_mem>>) src(%arg7 : memref<80x144xf32, #tpu.memory_space<vmem>>) dst(%dma_wait3A_342 : memref<10000x144xf32, #tpu.memory_space<vmem_shared>>)
      %add3A_343 = arith.constant 5 : i32
      %add3A_344 = arith.addi %add3A_252, %add3A_343 : i32
      %lt3A_345 = arith.constant 125 : i32
      %lt3A_346 = arith.cmpi slt, %add3A_344, %lt3A_345 : i32
      %convert_element_type3A_347 = arith.extui %lt3A_346 : i1 to i32
      %cond3A_348 = arith.constant 0 : i32
      %cond3A_349 = arith.cmpi ne, %convert_element_type3A_347, %cond3A_348 : i32
      scf.if %cond3A_349 {
        %add3A_464 = arith.constant 5 : i32
        %add3A_465 = arith.addi %add3A_252, %add3A_464 : i32
        %mul3A_466 = arith.constant 10000 : i32
        %mul3A_467 = arith.muli %add3A, %mul3A_466 : i32
        %mul3A_468 = arith.constant 80 : i32
        %mul3A_469 = arith.muli %add3A_465, %mul3A_468 : i32
        %add3A_470 = arith.addi %mul3A_467, %mul3A_469 : i32
        %dma_start3A_471 = arith.constant 0 : i32
        %dma_start3A_472 = arith.constant 1 : i32
        %dma_start3A_473 = arith.constant 0 : i32
        %dma_start3A_474 = arith.constant 0 : i32
        %dma_start3A_475 = tpu.memref_slice %arg5[%dma_start3A_472, %dma_start3A_473, %dma_start3A_474] : memref<4x2x80xi32, #tpu.memory_space<vmem>> -> memref<1x1x80xi32, #tpu.memory_space<vmem>>
        %dma_start3A_476 = tpu.memref_squeeze %dma_start3A_475 : memref<1x1x80xi32, #tpu.memory_space<vmem>> -> memref<80xi32, #tpu.memory_space<vmem>>
        %dma_start3A_477 = tpu.memref_slice %arg2[%dma_start3A_471, %add3A_470] : memref<2x320000xi32, #tpu.memory_space<hbm>> -> memref<1x80xi32, #tpu.memory_space<hbm>>
        %dma_start3A_478 = tpu.memref_squeeze %dma_start3A_477 : memref<1x80xi32, #tpu.memory_space<hbm>> -> memref<80xi32, #tpu.memory_space<hbm>>
        %dma_start3A_479 = arith.constant 0 : i32
        %dma_start3A_480 = tpu.memref_slice %arg5[%dma_start3A_472, %dma_start3A_473, %dma_start3A_479] : memref<4x2x80xi32, #tpu.memory_space<vmem>> -> memref<1x1x80xi32, #tpu.memory_space<vmem>>
        %dma_start3A_481 = tpu.memref_squeeze %dma_start3A_480 : memref<1x1x80xi32, #tpu.memory_space<vmem>> -> memref<80xi32, #tpu.memory_space<vmem>>
        %dma_start3A_482 = tpu.memref_slice %arg2[%dma_start3A_471, %add3A_470] : memref<2x320000xi32, #tpu.memory_space<hbm>> -> memref<1x80xi32, #tpu.memory_space<hbm>>
        %dma_start3A_483 = tpu.memref_squeeze %dma_start3A_482 : memref<1x80xi32, #tpu.memory_space<hbm>> -> memref<80xi32, #tpu.memory_space<hbm>>
        tpu.enqueue_dma source(%dma_start3A_483 : memref<80xi32, #tpu.memory_space<hbm>>) target(%dma_start3A_481 : memref<80xi32, #tpu.memory_space<vmem>>) target_semaphore(%arg14 : memref<!tpu.dma_semaphore, #tpu.memory_space<semaphore_mem>>)
        %dma_start3A_484 = arith.constant 1 : i32
        %dma_start3A_485 = arith.constant 1 : i32
        %dma_start3A_486 = arith.constant 1 : i32
        %dma_start3A_487 = arith.constant 0 : i32
        %dma_start3A_488 = tpu.memref_slice %arg5[%dma_start3A_485, %dma_start3A_486, %dma_start3A_487] : memref<4x2x80xi32, #tpu.memory_space<vmem>> -> memref<1x1x80xi32, #tpu.memory_space<vmem>>
        %dma_start3A_489 = tpu.memref_squeeze %dma_start3A_488 : memref<1x1x80xi32, #tpu.memory_space<vmem>> -> memref<80xi32, #tpu.memory_space<vmem>>
        %dma_start3A_490 = tpu.memref_slice %arg2[%dma_start3A_484, %add3A_470] : memref<2x320000xi32, #tpu.memory_space<hbm>> -> memref<1x80xi32, #tpu.memory_space<hbm>>
        %dma_start3A_491 = tpu.memref_squeeze %dma_start3A_490 : memref<1x80xi32, #tpu.memory_space<hbm>> -> memref<80xi32, #tpu.memory_space<hbm>>
        %dma_start3A_492 = arith.constant 0 : i32
        %dma_start3A_493 = tpu.memref_slice %arg5[%dma_start3A_485, %dma_start3A_486, %dma_start3A_492] : memref<4x2x80xi32, #tpu.memory_space<vmem>> -> memref<1x1x80xi32, #tpu.memory_space<vmem>>
        %dma_start3A_494 = tpu.memref_squeeze %dma_start3A_493 : memref<1x1x80xi32, #tpu.memory_space<vmem>> -> memref<80xi32, #tpu.memory_space<vmem>>
        %dma_start3A_495 = tpu.memref_slice %arg2[%dma_start3A_484, %add3A_470] : memref<2x320000xi32, #tpu.memory_space<hbm>> -> memref<1x80xi32, #tpu.memory_space<hbm>>
        %dma_start3A_496 = tpu.memref_squeeze %dma_start3A_495 : memref<1x80xi32, #tpu.memory_space<hbm>> -> memref<80xi32, #tpu.memory_space<hbm>>
        tpu.enqueue_dma source(%dma_start3A_496 : memref<80xi32, #tpu.memory_space<hbm>>) target(%dma_start3A_494 : memref<80xi32, #tpu.memory_space<vmem>>) target_semaphore(%arg14 : memref<!tpu.dma_semaphore, #tpu.memory_space<semaphore_mem>>)
      } else {
      }
      %dma_wait3A_350 = arith.constant 0 : i32
      %dma_wait3A_351 = arith.constant 3 : i32
      %dma_wait3A_352 = arith.constant 0 : i32
      %dma_wait3A_353 = arith.constant 0 : i32
      %dma_wait3A_354 = tpu.memref_slice %arg5[%dma_wait3A_351, %dma_wait3A_352, %dma_wait3A_353] : memref<4x2x80xi32, #tpu.memory_space<vmem>> -> memref<1x1x80xi32, #tpu.memory_space<vmem>>
      %dma_wait3A_355 = tpu.memref_squeeze %dma_wait3A_354 : memref<1x1x80xi32, #tpu.memory_space<vmem>> -> memref<80xi32, #tpu.memory_space<vmem>>
      %dma_wait3A_356 = arith.constant 0 : i32
      %dma_wait3A_357 = tpu.memref_slice %arg2[%dma_wait3A_350, %dma_wait3A_356] : memref<2x320000xi32, #tpu.memory_space<hbm>> -> memref<1x80xi32, #tpu.memory_space<hbm>>
      %dma_wait3A_358 = tpu.memref_squeeze %dma_wait3A_357 : memref<1x80xi32, #tpu.memory_space<hbm>> -> memref<80xi32, #tpu.memory_space<hbm>>
      %dma_wait3A_359 = arith.constant 0 : i32
      %dma_wait3A_360 = tpu.memref_slice %arg5[%dma_wait3A_351, %dma_wait3A_352, %dma_wait3A_359] : memref<4x2x80xi32, #tpu.memory_space<vmem>> -> memref<1x1x80xi32, #tpu.memory_space<vmem>>
      %dma_wait3A_361 = tpu.memref_squeeze %dma_wait3A_360 : memref<1x1x80xi32, #tpu.memory_space<vmem>> -> memref<80xi32, #tpu.memory_space<vmem>>
      %dma_wait3A_362 = arith.constant 0 : i32
      %dma_wait3A_363 = tpu.memref_slice %arg2[%dma_wait3A_350, %dma_wait3A_362] : memref<2x320000xi32, #tpu.memory_space<hbm>> -> memref<1x80xi32, #tpu.memory_space<hbm>>
      %dma_wait3A_364 = tpu.memref_squeeze %dma_wait3A_363 : memref<1x80xi32, #tpu.memory_space<hbm>> -> memref<80xi32, #tpu.memory_space<hbm>>
      tpu.wait_dma2 semaphore(%arg16 : memref<!tpu.dma_semaphore, #tpu.memory_space<semaphore_mem>>) src(%dma_wait3A_364 : memref<80xi32, #tpu.memory_space<hbm>>) dst(%dma_wait3A_361 : memref<80xi32, #tpu.memory_space<vmem>>)
      %dma_wait3A_365 = arith.constant 0 : i32
      %dma_wait3A_366 = arith.constant 3 : i32
      %dma_wait3A_367 = arith.constant 1 : i32
      %dma_wait3A_368 = arith.constant 0 : i32
      %dma_wait3A_369 = tpu.memref_slice %arg5[%dma_wait3A_366, %dma_wait3A_367, %dma_wait3A_368] : memref<4x2x80xi32, #tpu.memory_space<vmem>> -> memref<1x1x80xi32, #tpu.memory_space<vmem>>
      %dma_wait3A_370 = tpu.memref_squeeze %dma_wait3A_369 : memref<1x1x80xi32, #tpu.memory_space<vmem>> -> memref<80xi32, #tpu.memory_space<vmem>>
      %dma_wait3A_371 = arith.constant 0 : i32
      %dma_wait3A_372 = tpu.memref_slice %arg2[%dma_wait3A_365, %dma_wait3A_371] : memref<2x320000xi32, #tpu.memory_space<hbm>> -> memref<1x80xi32, #tpu.memory_space<hbm>>
      %dma_wait3A_373 = tpu.memref_squeeze %dma_wait3A_372 : memref<1x80xi32, #tpu.memory_space<hbm>> -> memref<80xi32, #tpu.memory_space<hbm>>
      %dma_wait3A_374 = arith.constant 0 : i32
      %dma_wait3A_375 = tpu.memref_slice %arg5[%dma_wait3A_366, %dma_wait3A_367, %dma_wait3A_374] : memref<4x2x80xi32, #tpu.memory_space<vmem>> -> memref<1x1x80xi32, #tpu.memory_space<vmem>>
      %dma_wait3A_376 = tpu.memref_squeeze %dma_wait3A_375 : memref<1x1x80xi32, #tpu.memory_space<vmem>> -> memref<80xi32, #tpu.memory_space<vmem>>
      %dma_wait3A_377 = arith.constant 0 : i32
      %dma_wait3A_378 = tpu.memref_slice %arg2[%dma_wait3A_365, %dma_wait3A_377] : memref<2x320000xi32, #tpu.memory_space<hbm>> -> memref<1x80xi32, #tpu.memory_space<hbm>>
      %dma_wait3A_379 = tpu.memref_squeeze %dma_wait3A_378 : memref<1x80xi32, #tpu.memory_space<hbm>> -> memref<80xi32, #tpu.memory_space<hbm>>
      tpu.wait_dma2 semaphore(%arg16 : memref<!tpu.dma_semaphore, #tpu.memory_space<semaphore_mem>>) src(%dma_wait3A_379 : memref<80xi32, #tpu.memory_space<hbm>>) dst(%dma_wait3A_376 : memref<80xi32, #tpu.memory_space<vmem>>)
      %dma_start3A_380 = arith.constant 3 : i32
      %dma_start3A_381 = arith.constant 0 : i32
      %dma_start3A_382 = arith.constant 0 : i32
      %dma_start3A_383 = tpu.memref_slice %arg5[%dma_start3A_380, %dma_start3A_381, %dma_start3A_382] : memref<4x2x80xi32, #tpu.memory_space<vmem>> -> memref<1x1x80xi32, #tpu.memory_space<vmem>>
      %dma_start3A_384 = tpu.memref_squeeze %dma_start3A_383 : memref<1x1x80xi32, #tpu.memory_space<vmem>> -> memref<80xi32, #tpu.memory_space<vmem>>
      %dma_start3A_385 = arith.constant 0 : i32
      %dma_start3A_386 = arith.constant 0 : i32
      %dma_start3A_387 = tpu.memref_slice %arg3[%dma_start3A_385, %dma_start3A_386] : memref<10000x144xf32, #tpu.memory_space<hbm>> -> memref<10000x144xf32, #tpu.memory_space<hbm>>
      tpu.enqueue_indirect_dma source(%dma_start3A_387 : memref<10000x144xf32, #tpu.memory_space<hbm>>) target(%arg7 : memref<80x144xf32, #tpu.memory_space<vmem>>) offsets(%dma_start3A_384 : memref<80xi32, #tpu.memory_space<vmem>>) semaphore(%arg10 : memref<!tpu.dma_semaphore, #tpu.memory_space<semaphore_mem>>)
      %dma_wait3A_388 = arith.constant 0 : i32
      %dma_wait3A_389 = arith.constant 0 : i32
      %dma_wait3A_390 = arith.constant 0 : i32
      %dma_wait3A_391 = tpu.memref_slice %arg5[%dma_wait3A_388, %dma_wait3A_389, %dma_wait3A_390] : memref<4x2x80xi32, #tpu.memory_space<vmem>> -> memref<1x1x80xi32, #tpu.memory_space<vmem>>
      %dma_wait3A_392 = tpu.memref_squeeze %dma_wait3A_391 : memref<1x1x80xi32, #tpu.memory_space<vmem>> -> memref<80xi32, #tpu.memory_space<vmem>>
      %dma_wait3A_393 = arith.constant 0 : i32
      %dma_wait3A_394 = arith.constant 0 : i32
      %dma_wait3A_395 = tpu.memref_slice %arg3[%dma_wait3A_393, %dma_wait3A_394] : memref<10000x144xf32, #tpu.memory_space<hbm>> -> memref<10000x144xf32, #tpu.memory_space<hbm>>
      tpu.wait_indirect_dma semaphore(%arg9 : memref<!tpu.dma_semaphore, #tpu.memory_space<semaphore_mem>>) src(%dma_wait3A_395 : memref<10000x144xf32, #tpu.memory_space<hbm>>) dst(%arg6 : memref<80x144xf32, #tpu.memory_space<vmem>>)
      %dma_start3A_396 = arith.constant 2 : i32
      %dma_start3A_397 = arith.constant 1 : i32
      %dma_start3A_398 = arith.constant 0 : i32
      %dma_start3A_399 = tpu.memref_slice %arg5[%dma_start3A_396, %dma_start3A_397, %dma_start3A_398] : memref<4x2x80xi32, #tpu.memory_space<vmem>> -> memref<1x1x80xi32, #tpu.memory_space<vmem>>
      %dma_start3A_400 = tpu.memref_squeeze %dma_start3A_399 : memref<1x1x80xi32, #tpu.memory_space<vmem>> -> memref<80xi32, #tpu.memory_space<vmem>>
      %dma_start3A_401 = arith.constant 0 : i32
      %dma_start3A_402 = arith.constant 0 : i32
      %dma_start3A_403 = tpu.memref_slice %arg8[%dma_start3A_401, %dma_start3A_402] : memref<10000x144xf32, #tpu.memory_space<vmem_shared>> -> memref<10000x144xf32, #tpu.memory_space<vmem_shared>>
      tpu.enqueue_indirect_dma source(%arg6 : memref<80x144xf32, #tpu.memory_space<vmem>>) target(%dma_start3A_403 : memref<10000x144xf32, #tpu.memory_space<vmem_shared>>) offsets(%dma_start3A_400 : memref<80xi32, #tpu.memory_space<vmem>>) semaphore(%arg11 : memref<!tpu.dma_semaphore, #tpu.memory_space<semaphore_mem>>) {add = true}
      %dma_wait3A_404 = arith.constant 0 : i32
      %dma_wait3A_405 = arith.constant 0 : i32
      %dma_wait3A_406 = arith.constant 0 : i32
      %dma_wait3A_407 = tpu.memref_slice %arg5[%dma_wait3A_404, %dma_wait3A_405, %dma_wait3A_406] : memref<4x2x80xi32, #tpu.memory_space<vmem>> -> memref<1x1x80xi32, #tpu.memory_space<vmem>>
      %dma_wait3A_408 = tpu.memref_squeeze %dma_wait3A_407 : memref<1x1x80xi32, #tpu.memory_space<vmem>> -> memref<80xi32, #tpu.memory_space<vmem>>
      %dma_wait3A_409 = arith.constant 0 : i32
      %dma_wait3A_410 = arith.constant 0 : i32
      %dma_wait3A_411 = tpu.memref_slice %arg3[%dma_wait3A_409, %dma_wait3A_410] : memref<10000x144xf32, #tpu.memory_space<hbm>> -> memref<10000x144xf32, #tpu.memory_space<hbm>>
      tpu.wait_indirect_dma semaphore(%arg10 : memref<!tpu.dma_semaphore, #tpu.memory_space<semaphore_mem>>) src(%dma_wait3A_411 : memref<10000x144xf32, #tpu.memory_space<hbm>>) dst(%arg7 : memref<80x144xf32, #tpu.memory_space<vmem>>)
      %dma_start3A_412 = arith.constant 3 : i32
      %dma_start3A_413 = arith.constant 1 : i32
      %dma_start3A_414 = arith.constant 0 : i32
      %dma_start3A_415 = tpu.memref_slice %arg5[%dma_start3A_412, %dma_start3A_413, %dma_start3A_414] : memref<4x2x80xi32, #tpu.memory_space<vmem>> -> memref<1x1x80xi32, #tpu.memory_space<vmem>>
      %dma_start3A_416 = tpu.memref_squeeze %dma_start3A_415 : memref<1x1x80xi32, #tpu.memory_space<vmem>> -> memref<80xi32, #tpu.memory_space<vmem>>
      %dma_start3A_417 = arith.constant 0 : i32
      %dma_start3A_418 = arith.constant 0 : i32
      %dma_start3A_419 = tpu.memref_slice %arg8[%dma_start3A_417, %dma_start3A_418] : memref<10000x144xf32, #tpu.memory_space<vmem_shared>> -> memref<10000x144xf32, #tpu.memory_space<vmem_shared>>
      tpu.enqueue_indirect_dma source(%arg7 : memref<80x144xf32, #tpu.memory_space<vmem>>) target(%dma_start3A_419 : memref<10000x144xf32, #tpu.memory_space<vmem_shared>>) offsets(%dma_start3A_416 : memref<80xi32, #tpu.memory_space<vmem>>) semaphore(%arg12 : memref<!tpu.dma_semaphore, #tpu.memory_space<semaphore_mem>>) {add = true}
      %dma_wait3A_420 = arith.constant 0 : i32
      %dma_wait3A_421 = arith.constant 1 : i32
      %dma_wait3A_422 = arith.constant 0 : i32
      %dma_wait3A_423 = tpu.memref_slice %arg5[%dma_wait3A_420, %dma_wait3A_421, %dma_wait3A_422] : memref<4x2x80xi32, #tpu.memory_space<vmem>> -> memref<1x1x80xi32, #tpu.memory_space<vmem>>
      %dma_wait3A_424 = tpu.memref_squeeze %dma_wait3A_423 : memref<1x1x80xi32, #tpu.memory_space<vmem>> -> memref<80xi32, #tpu.memory_space<vmem>>
      %dma_wait3A_425 = arith.constant 0 : i32
      %dma_wait3A_426 = arith.constant 0 : i32
      %dma_wait3A_427 = tpu.memref_slice %arg8[%dma_wait3A_425, %dma_wait3A_426] : memref<10000x144xf32, #tpu.memory_space<vmem_shared>> -> memref<10000x144xf32, #tpu.memory_space<vmem_shared>>
      tpu.wait_indirect_dma semaphore(%arg11 : memref<!tpu.dma_semaphore, #tpu.memory_space<semaphore_mem>>) src(%arg6 : memref<80x144xf32, #tpu.memory_space<vmem>>) dst(%dma_wait3A_427 : memref<10000x144xf32, #tpu.memory_space<vmem_shared>>)
      %add3A_428 = arith.constant 6 : i32
      %add3A_429 = arith.addi %add3A_252, %add3A_428 : i32
      %lt3A_430 = arith.constant 125 : i32
      %lt3A_431 = arith.cmpi slt, %add3A_429, %lt3A_430 : i32
      %convert_element_type3A_432 = arith.extui %lt3A_431 : i1 to i32
      %cond3A_433 = arith.constant 0 : i32
      %cond3A_434 = arith.cmpi ne, %convert_element_type3A_432, %cond3A_433 : i32
      scf.if %cond3A_434 {
        %add3A_464 = arith.constant 6 : i32
        %add3A_465 = arith.addi %add3A_252, %add3A_464 : i32
        %mul3A_466 = arith.constant 10000 : i32
        %mul3A_467 = arith.muli %add3A, %mul3A_466 : i32
        %mul3A_468 = arith.constant 80 : i32
        %mul3A_469 = arith.muli %add3A_465, %mul3A_468 : i32
        %add3A_470 = arith.addi %mul3A_467, %mul3A_469 : i32
        %dma_start3A_471 = arith.constant 0 : i32
        %dma_start3A_472 = arith.constant 2 : i32
        %dma_start3A_473 = arith.constant 0 : i32
        %dma_start3A_474 = arith.constant 0 : i32
        %dma_start3A_475 = tpu.memref_slice %arg5[%dma_start3A_472, %dma_start3A_473, %dma_start3A_474] : memref<4x2x80xi32, #tpu.memory_space<vmem>> -> memref<1x1x80xi32, #tpu.memory_space<vmem>>
        %dma_start3A_476 = tpu.memref_squeeze %dma_start3A_475 : memref<1x1x80xi32, #tpu.memory_space<vmem>> -> memref<80xi32, #tpu.memory_space<vmem>>
        %dma_start3A_477 = tpu.memref_slice %arg2[%dma_start3A_471, %add3A_470] : memref<2x320000xi32, #tpu.memory_space<hbm>> -> memref<1x80xi32, #tpu.memory_space<hbm>>
        %dma_start3A_478 = tpu.memref_squeeze %dma_start3A_477 : memref<1x80xi32, #tpu.memory_space<hbm>> -> memref<80xi32, #tpu.memory_space<hbm>>
        %dma_start3A_479 = arith.constant 0 : i32
        %dma_start3A_480 = tpu.memref_slice %arg5[%dma_start3A_472, %dma_start3A_473, %dma_start3A_479] : memref<4x2x80xi32, #tpu.memory_space<vmem>> -> memref<1x1x80xi32, #tpu.memory_space<vmem>>
        %dma_start3A_481 = tpu.memref_squeeze %dma_start3A_480 : memref<1x1x80xi32, #tpu.memory_space<vmem>> -> memref<80xi32, #tpu.memory_space<vmem>>
        %dma_start3A_482 = tpu.memref_slice %arg2[%dma_start3A_471, %add3A_470] : memref<2x320000xi32, #tpu.memory_space<hbm>> -> memref<1x80xi32, #tpu.memory_space<hbm>>
        %dma_start3A_483 = tpu.memref_squeeze %dma_start3A_482 : memref<1x80xi32, #tpu.memory_space<hbm>> -> memref<80xi32, #tpu.memory_space<hbm>>
        tpu.enqueue_dma source(%dma_start3A_483 : memref<80xi32, #tpu.memory_space<hbm>>) target(%dma_start3A_481 : memref<80xi32, #tpu.memory_space<vmem>>) target_semaphore(%arg15 : memref<!tpu.dma_semaphore, #tpu.memory_space<semaphore_mem>>)
        %dma_start3A_484 = arith.constant 1 : i32
        %dma_start3A_485 = arith.constant 2 : i32
        %dma_start3A_486 = arith.constant 1 : i32
        %dma_start3A_487 = arith.constant 0 : i32
        %dma_start3A_488 = tpu.memref_slice %arg5[%dma_start3A_485, %dma_start3A_486, %dma_start3A_487] : memref<4x2x80xi32, #tpu.memory_space<vmem>> -> memref<1x1x80xi32, #tpu.memory_space<vmem>>
        %dma_start3A_489 = tpu.memref_squeeze %dma_start3A_488 : memref<1x1x80xi32, #tpu.memory_space<vmem>> -> memref<80xi32, #tpu.memory_space<vmem>>
        %dma_start3A_490 = tpu.memref_slice %arg2[%dma_start3A_484, %add3A_470] : memref<2x320000xi32, #tpu.memory_space<hbm>> -> memref<1x80xi32, #tpu.memory_space<hbm>>
        %dma_start3A_491 = tpu.memref_squeeze %dma_start3A_490 : memref<1x80xi32, #tpu.memory_space<hbm>> -> memref<80xi32, #tpu.memory_space<hbm>>
        %dma_start3A_492 = arith.constant 0 : i32
        %dma_start3A_493 = tpu.memref_slice %arg5[%dma_start3A_485, %dma_start3A_486, %dma_start3A_492] : memref<4x2x80xi32, #tpu.memory_space<vmem>> -> memref<1x1x80xi32, #tpu.memory_space<vmem>>
        %dma_start3A_494 = tpu.memref_squeeze %dma_start3A_493 : memref<1x1x80xi32, #tpu.memory_space<vmem>> -> memref<80xi32, #tpu.memory_space<vmem>>
        %dma_start3A_495 = tpu.memref_slice %arg2[%dma_start3A_484, %add3A_470] : memref<2x320000xi32, #tpu.memory_space<hbm>> -> memref<1x80xi32, #tpu.memory_space<hbm>>
        %dma_start3A_496 = tpu.memref_squeeze %dma_start3A_495 : memref<1x80xi32, #tpu.memory_space<hbm>> -> memref<80xi32, #tpu.memory_space<hbm>>
        tpu.enqueue_dma source(%dma_start3A_496 : memref<80xi32, #tpu.memory_space<hbm>>) target(%dma_start3A_494 : memref<80xi32, #tpu.memory_space<vmem>>) target_semaphore(%arg15 : memref<!tpu.dma_semaphore, #tpu.memory_space<semaphore_mem>>)
      } else {
      }
      %add3A_435 = arith.constant 4 : i32
      %add3A_436 = arith.addi %add3A_252, %add3A_435 : i32
      %lt3A_437 = arith.constant 125 : i32
      %lt3A_438 = arith.cmpi slt, %add3A_436, %lt3A_437 : i32
      %convert_element_type3A_439 = arith.extui %lt3A_438 : i1 to i32
      %cond3A_440 = arith.constant 0 : i32
      %cond3A_441 = arith.cmpi ne, %convert_element_type3A_439, %cond3A_440 : i32
      scf.if %cond3A_441 {
        %dma_wait3A_464 = arith.constant 0 : i32
        %dma_wait3A_465 = arith.constant 0 : i32
        %dma_wait3A_466 = arith.constant 0 : i32
        %dma_wait3A_467 = arith.constant 0 : i32
        %dma_wait3A_468 = tpu.memref_slice %arg5[%dma_wait3A_465, %dma_wait3A_466, %dma_wait3A_467] : memref<4x2x80xi32, #tpu.memory_space<vmem>> -> memref<1x1x80xi32, #tpu.memory_space<vmem>>
        %dma_wait3A_469 = tpu.memref_squeeze %dma_wait3A_468 : memref<1x1x80xi32, #tpu.memory_space<vmem>> -> memref<80xi32, #tpu.memory_space<vmem>>
        %dma_wait3A_470 = arith.constant 0 : i32
        %dma_wait3A_471 = tpu.memref_slice %arg2[%dma_wait3A_464, %dma_wait3A_470] : memref<2x320000xi32, #tpu.memory_space<hbm>> -> memref<1x80xi32, #tpu.memory_space<hbm>>
        %dma_wait3A_472 = tpu.memref_squeeze %dma_wait3A_471 : memref<1x80xi32, #tpu.memory_space<hbm>> -> memref<80xi32, #tpu.memory_space<hbm>>
        %dma_wait3A_473 = arith.constant 0 : i32
        %dma_wait3A_474 = tpu.memref_slice %arg5[%dma_wait3A_465, %dma_wait3A_466, %dma_wait3A_473] : memref<4x2x80xi32, #tpu.memory_space<vmem>> -> memref<1x1x80xi32, #tpu.memory_space<vmem>>
        %dma_wait3A_475 = tpu.memref_squeeze %dma_wait3A_474 : memref<1x1x80xi32, #tpu.memory_space<vmem>> -> memref<80xi32, #tpu.memory_space<vmem>>
        %dma_wait3A_476 = arith.constant 0 : i32
        %dma_wait3A_477 = tpu.memref_slice %arg2[%dma_wait3A_464, %dma_wait3A_476] : memref<2x320000xi32, #tpu.memory_space<hbm>> -> memref<1x80xi32, #tpu.memory_space<hbm>>
        %dma_wait3A_478 = tpu.memref_squeeze %dma_wait3A_477 : memref<1x80xi32, #tpu.memory_space<hbm>> -> memref<80xi32, #tpu.memory_space<hbm>>
        tpu.wait_dma2 semaphore(%arg13 : memref<!tpu.dma_semaphore, #tpu.memory_space<semaphore_mem>>) src(%dma_wait3A_478 : memref<80xi32, #tpu.memory_space<hbm>>) dst(%dma_wait3A_475 : memref<80xi32, #tpu.memory_space<vmem>>)
        %dma_wait3A_479 = arith.constant 0 : i32
        %dma_wait3A_480 = arith.constant 0 : i32
        %dma_wait3A_481 = arith.constant 1 : i32
        %dma_wait3A_482 = arith.constant 0 : i32
        %dma_wait3A_483 = tpu.memref_slice %arg5[%dma_wait3A_480, %dma_wait3A_481, %dma_wait3A_482] : memref<4x2x80xi32, #tpu.memory_space<vmem>> -> memref<1x1x80xi32, #tpu.memory_space<vmem>>
        %dma_wait3A_484 = tpu.memref_squeeze %dma_wait3A_483 : memref<1x1x80xi32, #tpu.memory_space<vmem>> -> memref<80xi32, #tpu.memory_space<vmem>>
        %dma_wait3A_485 = arith.constant 0 : i32
        %dma_wait3A_486 = tpu.memref_slice %arg2[%dma_wait3A_479, %dma_wait3A_485] : memref<2x320000xi32, #tpu.memory_space<hbm>> -> memref<1x80xi32, #tpu.memory_space<hbm>>
        %dma_wait3A_487 = tpu.memref_squeeze %dma_wait3A_486 : memref<1x80xi32, #tpu.memory_space<hbm>> -> memref<80xi32, #tpu.memory_space<hbm>>
        %dma_wait3A_488 = arith.constant 0 : i32
        %dma_wait3A_489 = tpu.memref_slice %arg5[%dma_wait3A_480, %dma_wait3A_481, %dma_wait3A_488] : memref<4x2x80xi32, #tpu.memory_space<vmem>> -> memref<1x1x80xi32, #tpu.memory_space<vmem>>
        %dma_wait3A_490 = tpu.memref_squeeze %dma_wait3A_489 : memref<1x1x80xi32, #tpu.memory_space<vmem>> -> memref<80xi32, #tpu.memory_space<vmem>>
        %dma_wait3A_491 = arith.constant 0 : i32
        %dma_wait3A_492 = tpu.memref_slice %arg2[%dma_wait3A_479, %dma_wait3A_491] : memref<2x320000xi32, #tpu.memory_space<hbm>> -> memref<1x80xi32, #tpu.memory_space<hbm>>
        %dma_wait3A_493 = tpu.memref_squeeze %dma_wait3A_492 : memref<1x80xi32, #tpu.memory_space<hbm>> -> memref<80xi32, #tpu.memory_space<hbm>>
        tpu.wait_dma2 semaphore(%arg13 : memref<!tpu.dma_semaphore, #tpu.memory_space<semaphore_mem>>) src(%dma_wait3A_493 : memref<80xi32, #tpu.memory_space<hbm>>) dst(%dma_wait3A_490 : memref<80xi32, #tpu.memory_space<vmem>>)
        %dma_start3A_494 = arith.constant 0 : i32
        %dma_start3A_495 = arith.constant 0 : i32
        %dma_start3A_496 = arith.constant 0 : i32
        %dma_start3A_497 = tpu.memref_slice %arg5[%dma_start3A_494, %dma_start3A_495, %dma_start3A_496] : memref<4x2x80xi32, #tpu.memory_space<vmem>> -> memref<1x1x80xi32, #tpu.memory_space<vmem>>
        %dma_start3A_498 = tpu.memref_squeeze %dma_start3A_497 : memref<1x1x80xi32, #tpu.memory_space<vmem>> -> memref<80xi32, #tpu.memory_space<vmem>>
        %dma_start3A_499 = arith.constant 0 : i32
        %dma_start3A_500 = arith.constant 0 : i32
        %dma_start3A_501 = tpu.memref_slice %arg3[%dma_start3A_499, %dma_start3A_500] : memref<10000x144xf32, #tpu.memory_space<hbm>> -> memref<10000x144xf32, #tpu.memory_space<hbm>>
        tpu.enqueue_indirect_dma source(%dma_start3A_501 : memref<10000x144xf32, #tpu.memory_space<hbm>>) target(%arg6 : memref<80x144xf32, #tpu.memory_space<vmem>>) offsets(%dma_start3A_498 : memref<80xi32, #tpu.memory_space<vmem>>) semaphore(%arg9 : memref<!tpu.dma_semaphore, #tpu.memory_space<semaphore_mem>>)
      } else {
      }
      %dma_wait3A_442 = arith.constant 0 : i32
      %dma_wait3A_443 = arith.constant 1 : i32
      %dma_wait3A_444 = arith.constant 0 : i32
      %dma_wait3A_445 = tpu.memref_slice %arg5[%dma_wait3A_442, %dma_wait3A_443, %dma_wait3A_444] : memref<4x2x80xi32, #tpu.memory_space<vmem>> -> memref<1x1x80xi32, #tpu.memory_space<vmem>>
      %dma_wait3A_446 = tpu.memref_squeeze %dma_wait3A_445 : memref<1x1x80xi32, #tpu.memory_space<vmem>> -> memref<80xi32, #tpu.memory_space<vmem>>
      %dma_wait3A_447 = arith.constant 0 : i32
      %dma_wait3A_448 = arith.constant 0 : i32
      %dma_wait3A_449 = tpu.memref_slice %arg8[%dma_wait3A_447, %dma_wait3A_448] : memref<10000x144xf32, #tpu.memory_space<vmem_shared>> -> memref<10000x144xf32, #tpu.memory_space<vmem_shared>>
      tpu.wait_indirect_dma semaphore(%arg12 : memref<!tpu.dma_semaphore, #tpu.memory_space<semaphore_mem>>) src(%arg7 : memref<80x144xf32, #tpu.memory_space<vmem>>) dst(%dma_wait3A_449 : memref<10000x144xf32, #tpu.memory_space<vmem_shared>>)
      %add3A_450 = arith.constant 7 : i32
      %add3A_451 = arith.addi %add3A_252, %add3A_450 : i32
      %lt3A_452 = arith.constant 125 : i32
      %lt3A_453 = arith.cmpi slt, %add3A_451, %lt3A_452 : i32
      %convert_element_type3A_454 = arith.extui %lt3A_453 : i1 to i32
      %cond3A_455 = arith.constant 0 : i32
      %cond3A_456 = arith.cmpi ne, %convert_element_type3A_454, %cond3A_455 : i32
      scf.if %cond3A_456 {
        %add3A_464 = arith.constant 7 : i32
        %add3A_465 = arith.addi %add3A_252, %add3A_464 : i32
        %mul3A_466 = arith.constant 10000 : i32
        %mul3A_467 = arith.muli %add3A, %mul3A_466 : i32
        %mul3A_468 = arith.constant 80 : i32
        %mul3A_469 = arith.muli %add3A_465, %mul3A_468 : i32
        %add3A_470 = arith.addi %mul3A_467, %mul3A_469 : i32
        %dma_start3A_471 = arith.constant 0 : i32
        %dma_start3A_472 = arith.constant 3 : i32
        %dma_start3A_473 = arith.constant 0 : i32
        %dma_start3A_474 = arith.constant 0 : i32
        %dma_start3A_475 = tpu.memref_slice %arg5[%dma_start3A_472, %dma_start3A_473, %dma_start3A_474] : memref<4x2x80xi32, #tpu.memory_space<vmem>> -> memref<1x1x80xi32, #tpu.memory_space<vmem>>
        %dma_start3A_476 = tpu.memref_squeeze %dma_start3A_475 : memref<1x1x80xi32, #tpu.memory_space<vmem>> -> memref<80xi32, #tpu.memory_space<vmem>>
        %dma_start3A_477 = tpu.memref_slice %arg2[%dma_start3A_471, %add3A_470] : memref<2x320000xi32, #tpu.memory_space<hbm>> -> memref<1x80xi32, #tpu.memory_space<hbm>>
        %dma_start3A_478 = tpu.memref_squeeze %dma_start3A_477 : memref<1x80xi32, #tpu.memory_space<hbm>> -> memref<80xi32, #tpu.memory_space<hbm>>
        %dma_start3A_479 = arith.constant 0 : i32
        %dma_start3A_480 = tpu.memref_slice %arg5[%dma_start3A_472, %dma_start3A_473, %dma_start3A_479] : memref<4x2x80xi32, #tpu.memory_space<vmem>> -> memref<1x1x80xi32, #tpu.memory_space<vmem>>
        %dma_start3A_481 = tpu.memref_squeeze %dma_start3A_480 : memref<1x1x80xi32, #tpu.memory_space<vmem>> -> memref<80xi32, #tpu.memory_space<vmem>>
        %dma_start3A_482 = tpu.memref_slice %arg2[%dma_start3A_471, %add3A_470] : memref<2x320000xi32, #tpu.memory_space<hbm>> -> memref<1x80xi32, #tpu.memory_space<hbm>>
        %dma_start3A_483 = tpu.memref_squeeze %dma_start3A_482 : memref<1x80xi32, #tpu.memory_space<hbm>> -> memref<80xi32, #tpu.memory_space<hbm>>
        tpu.enqueue_dma source(%dma_start3A_483 : memref<80xi32, #tpu.memory_space<hbm>>) target(%dma_start3A_481 : memref<80xi32, #tpu.memory_space<vmem>>) target_semaphore(%arg16 : memref<!tpu.dma_semaphore, #tpu.memory_space<semaphore_mem>>)
        %dma_start3A_484 = arith.constant 1 : i32
        %dma_start3A_485 = arith.constant 3 : i32
        %dma_start3A_486 = arith.constant 1 : i32
        %dma_start3A_487 = arith.constant 0 : i32
        %dma_start3A_488 = tpu.memref_slice %arg5[%dma_start3A_485, %dma_start3A_486, %dma_start3A_487] : memref<4x2x80xi32, #tpu.memory_space<vmem>> -> memref<1x1x80xi32, #tpu.memory_space<vmem>>
        %dma_start3A_489 = tpu.memref_squeeze %dma_start3A_488 : memref<1x1x80xi32, #tpu.memory_space<vmem>> -> memref<80xi32, #tpu.memory_space<vmem>>
        %dma_start3A_490 = tpu.memref_slice %arg2[%dma_start3A_484, %add3A_470] : memref<2x320000xi32, #tpu.memory_space<hbm>> -> memref<1x80xi32, #tpu.memory_space<hbm>>
        %dma_start3A_491 = tpu.memref_squeeze %dma_start3A_490 : memref<1x80xi32, #tpu.memory_space<hbm>> -> memref<80xi32, #tpu.memory_space<hbm>>
        %dma_start3A_492 = arith.constant 0 : i32
        %dma_start3A_493 = tpu.memref_slice %arg5[%dma_start3A_485, %dma_start3A_486, %dma_start3A_492] : memref<4x2x80xi32, #tpu.memory_space<vmem>> -> memref<1x1x80xi32, #tpu.memory_space<vmem>>
        %dma_start3A_494 = tpu.memref_squeeze %dma_start3A_493 : memref<1x1x80xi32, #tpu.memory_space<vmem>> -> memref<80xi32, #tpu.memory_space<vmem>>
        %dma_start3A_495 = tpu.memref_slice %arg2[%dma_start3A_484, %add3A_470] : memref<2x320000xi32, #tpu.memory_space<hbm>> -> memref<1x80xi32, #tpu.memory_space<hbm>>
        %dma_start3A_496 = tpu.memref_squeeze %dma_start3A_495 : memref<1x80xi32, #tpu.memory_space<hbm>> -> memref<80xi32, #tpu.memory_space<hbm>>
        tpu.enqueue_dma source(%dma_start3A_496 : memref<80xi32, #tpu.memory_space<hbm>>) target(%dma_start3A_494 : memref<80xi32, #tpu.memory_space<vmem>>) target_semaphore(%arg16 : memref<!tpu.dma_semaphore, #tpu.memory_space<semaphore_mem>>)
      } else {
      }
      %add3A_457 = arith.constant 5 : i32
      %add3A_458 = arith.addi %add3A_252, %add3A_457 : i32
      %lt3A_459 = arith.constant 125 : i32
      %lt3A_460 = arith.cmpi slt, %add3A_458, %lt3A_459 : i32
      %convert_element_type3A_461 = arith.extui %lt3A_460 : i1 to i32
      %cond3A_462 = arith.constant 0 : i32
      %cond3A_463 = arith.cmpi ne, %convert_element_type3A_461, %cond3A_462 : i32
      scf.if %cond3A_463 {
        %dma_wait3A_464 = arith.constant 0 : i32
        %dma_wait3A_465 = arith.constant 1 : i32
        %dma_wait3A_466 = arith.constant 0 : i32
        %dma_wait3A_467 = arith.constant 0 : i32
        %dma_wait3A_468 = tpu.memref_slice %arg5[%dma_wait3A_465, %dma_wait3A_466, %dma_wait3A_467] : memref<4x2x80xi32, #tpu.memory_space<vmem>> -> memref<1x1x80xi32, #tpu.memory_space<vmem>>
        %dma_wait3A_469 = tpu.memref_squeeze %dma_wait3A_468 : memref<1x1x80xi32, #tpu.memory_space<vmem>> -> memref<80xi32, #tpu.memory_space<vmem>>
        %dma_wait3A_470 = arith.constant 0 : i32
        %dma_wait3A_471 = tpu.memref_slice %arg2[%dma_wait3A_464, %dma_wait3A_470] : memref<2x320000xi32, #tpu.memory_space<hbm>> -> memref<1x80xi32, #tpu.memory_space<hbm>>
        %dma_wait3A_472 = tpu.memref_squeeze %dma_wait3A_471 : memref<1x80xi32, #tpu.memory_space<hbm>> -> memref<80xi32, #tpu.memory_space<hbm>>
        %dma_wait3A_473 = arith.constant 0 : i32
        %dma_wait3A_474 = tpu.memref_slice %arg5[%dma_wait3A_465, %dma_wait3A_466, %dma_wait3A_473] : memref<4x2x80xi32, #tpu.memory_space<vmem>> -> memref<1x1x80xi32, #tpu.memory_space<vmem>>
        %dma_wait3A_475 = tpu.memref_squeeze %dma_wait3A_474 : memref<1x1x80xi32, #tpu.memory_space<vmem>> -> memref<80xi32, #tpu.memory_space<vmem>>
        %dma_wait3A_476 = arith.constant 0 : i32
        %dma_wait3A_477 = tpu.memref_slice %arg2[%dma_wait3A_464, %dma_wait3A_476] : memref<2x320000xi32, #tpu.memory_space<hbm>> -> memref<1x80xi32, #tpu.memory_space<hbm>>
        %dma_wait3A_478 = tpu.memref_squeeze %dma_wait3A_477 : memref<1x80xi32, #tpu.memory_space<hbm>> -> memref<80xi32, #tpu.memory_space<hbm>>
        tpu.wait_dma2 semaphore(%arg14 : memref<!tpu.dma_semaphore, #tpu.memory_space<semaphore_mem>>) src(%dma_wait3A_478 : memref<80xi32, #tpu.memory_space<hbm>>) dst(%dma_wait3A_475 : memref<80xi32, #tpu.memory_space<vmem>>)
        %dma_wait3A_479 = arith.constant 0 : i32
        %dma_wait3A_480 = arith.constant 1 : i32
        %dma_wait3A_481 = arith.constant 1 : i32
        %dma_wait3A_482 = arith.constant 0 : i32
        %dma_wait3A_483 = tpu.memref_slice %arg5[%dma_wait3A_480, %dma_wait3A_481, %dma_wait3A_482] : memref<4x2x80xi32, #tpu.memory_space<vmem>> -> memref<1x1x80xi32, #tpu.memory_space<vmem>>
        %dma_wait3A_484 = tpu.memref_squeeze %dma_wait3A_483 : memref<1x1x80xi32, #tpu.memory_space<vmem>> -> memref<80xi32, #tpu.memory_space<vmem>>
        %dma_wait3A_485 = arith.constant 0 : i32
        %dma_wait3A_486 = tpu.memref_slice %arg2[%dma_wait3A_479, %dma_wait3A_485] : memref<2x320000xi32, #tpu.memory_space<hbm>> -> memref<1x80xi32, #tpu.memory_space<hbm>>
        %dma_wait3A_487 = tpu.memref_squeeze %dma_wait3A_486 : memref<1x80xi32, #tpu.memory_space<hbm>> -> memref<80xi32, #tpu.memory_space<hbm>>
        %dma_wait3A_488 = arith.constant 0 : i32
        %dma_wait3A_489 = tpu.memref_slice %arg5[%dma_wait3A_480, %dma_wait3A_481, %dma_wait3A_488] : memref<4x2x80xi32, #tpu.memory_space<vmem>> -> memref<1x1x80xi32, #tpu.memory_space<vmem>>
        %dma_wait3A_490 = tpu.memref_squeeze %dma_wait3A_489 : memref<1x1x80xi32, #tpu.memory_space<vmem>> -> memref<80xi32, #tpu.memory_space<vmem>>
        %dma_wait3A_491 = arith.constant 0 : i32
        %dma_wait3A_492 = tpu.memref_slice %arg2[%dma_wait3A_479, %dma_wait3A_491] : memref<2x320000xi32, #tpu.memory_space<hbm>> -> memref<1x80xi32, #tpu.memory_space<hbm>>
        %dma_wait3A_493 = tpu.memref_squeeze %dma_wait3A_492 : memref<1x80xi32, #tpu.memory_space<hbm>> -> memref<80xi32, #tpu.memory_space<hbm>>
        tpu.wait_dma2 semaphore(%arg14 : memref<!tpu.dma_semaphore, #tpu.memory_space<semaphore_mem>>) src(%dma_wait3A_493 : memref<80xi32, #tpu.memory_space<hbm>>) dst(%dma_wait3A_490 : memref<80xi32, #tpu.memory_space<vmem>>)
        %dma_start3A_494 = arith.constant 1 : i32
        %dma_start3A_495 = arith.constant 0 : i32
        %dma_start3A_496 = arith.constant 0 : i32
        %dma_start3A_497 = tpu.memref_slice %arg5[%dma_start3A_494, %dma_start3A_495, %dma_start3A_496] : memref<4x2x80xi32, #tpu.memory_space<vmem>> -> memref<1x1x80xi32, #tpu.memory_space<vmem>>
        %dma_start3A_498 = tpu.memref_squeeze %dma_start3A_497 : memref<1x1x80xi32, #tpu.memory_space<vmem>> -> memref<80xi32, #tpu.memory_space<vmem>>
        %dma_start3A_499 = arith.constant 0 : i32
        %dma_start3A_500 = arith.constant 0 : i32
        %dma_start3A_501 = tpu.memref_slice %arg3[%dma_start3A_499, %dma_start3A_500] : memref<10000x144xf32, #tpu.memory_space<hbm>> -> memref<10000x144xf32, #tpu.memory_space<hbm>>
        tpu.enqueue_indirect_dma source(%dma_start3A_501 : memref<10000x144xf32, #tpu.memory_space<hbm>>) target(%arg7 : memref<80x144xf32, #tpu.memory_space<vmem>>) offsets(%dma_start3A_498 : memref<80xi32, #tpu.memory_space<vmem>>) semaphore(%arg10 : memref<!tpu.dma_semaphore, #tpu.memory_space<semaphore_mem>>)
      } else {
      }
    }
    %scan3A_222 = arith.constant 31 : i32
    %dma_wait3A_223 = arith.constant 0 : i32
    %dma_wait3A_224 = arith.constant 0 : i32
    %dma_wait3A_225 = arith.constant 0 : i32
    %dma_wait3A_226 = tpu.memref_slice %arg5[%dma_wait3A_223, %dma_wait3A_224, %dma_wait3A_225] : memref<4x2x80xi32, #tpu.memory_space<vmem>> -> memref<1x1x80xi32, #tpu.memory_space<vmem>>
    %dma_wait3A_227 = tpu.memref_squeeze %dma_wait3A_226 : memref<1x1x80xi32, #tpu.memory_space<vmem>> -> memref<80xi32, #tpu.memory_space<vmem>>
    %dma_wait3A_228 = arith.constant 0 : i32
    %dma_wait3A_229 = arith.constant 0 : i32
    %dma_wait3A_230 = tpu.memref_slice %arg3[%dma_wait3A_228, %dma_wait3A_229] : memref<10000x144xf32, #tpu.memory_space<hbm>> -> memref<10000x144xf32, #tpu.memory_space<hbm>>
    tpu.wait_indirect_dma semaphore(%arg9 : memref<!tpu.dma_semaphore, #tpu.memory_space<semaphore_mem>>) src(%dma_wait3A_230 : memref<10000x144xf32, #tpu.memory_space<hbm>>) dst(%arg6 : memref<80x144xf32, #tpu.memory_space<vmem>>)
    %dma_start3A_231 = arith.constant 0 : i32
    %dma_start3A_232 = arith.constant 1 : i32
    %dma_start3A_233 = arith.constant 0 : i32
    %dma_start3A_234 = tpu.memref_slice %arg5[%dma_start3A_231, %dma_start3A_232, %dma_start3A_233] : memref<4x2x80xi32, #tpu.memory_space<vmem>> -> memref<1x1x80xi32, #tpu.memory_space<vmem>>
    %dma_start3A_235 = tpu.memref_squeeze %dma_start3A_234 : memref<1x1x80xi32, #tpu.memory_space<vmem>> -> memref<80xi32, #tpu.memory_space<vmem>>
    %dma_start3A_236 = arith.constant 0 : i32
    %dma_start3A_237 = arith.constant 0 : i32
    %dma_start3A_238 = tpu.memref_slice %arg8[%dma_start3A_236, %dma_start3A_237] : memref<10000x144xf32, #tpu.memory_space<vmem_shared>> -> memref<10000x144xf32, #tpu.memory_space<vmem_shared>>
    tpu.enqueue_indirect_dma source(%arg6 : memref<80x144xf32, #tpu.memory_space<vmem>>) target(%dma_start3A_238 : memref<10000x144xf32, #tpu.memory_space<vmem_shared>>) offsets(%dma_start3A_235 : memref<80xi32, #tpu.memory_space<vmem>>) semaphore(%arg11 : memref<!tpu.dma_semaphore, #tpu.memory_space<semaphore_mem>>) {add = true}
    %dma_wait3A_239 = arith.constant 0 : i32
    %dma_wait3A_240 = arith.constant 1 : i32
    %dma_wait3A_241 = arith.constant 0 : i32
    %dma_wait3A_242 = tpu.memref_slice %arg5[%dma_wait3A_239, %dma_wait3A_240, %dma_wait3A_241] : memref<4x2x80xi32, #tpu.memory_space<vmem>> -> memref<1x1x80xi32, #tpu.memory_space<vmem>>
    %dma_wait3A_243 = tpu.memref_squeeze %dma_wait3A_242 : memref<1x1x80xi32, #tpu.memory_space<vmem>> -> memref<80xi32, #tpu.memory_space<vmem>>
    %dma_wait3A_244 = arith.constant 0 : i32
    %dma_wait3A_245 = arith.constant 0 : i32
    %dma_wait3A_246 = tpu.memref_slice %arg8[%dma_wait3A_244, %dma_wait3A_245] : memref<10000x144xf32, #tpu.memory_space<vmem_shared>> -> memref<10000x144xf32, #tpu.memory_space<vmem_shared>>
    tpu.wait_indirect_dma semaphore(%arg11 : memref<!tpu.dma_semaphore, #tpu.memory_space<semaphore_mem>>) src(%arg6 : memref<80x144xf32, #tpu.memory_space<vmem>>) dst(%dma_wait3A_246 : memref<10000x144xf32, #tpu.memory_space<vmem_shared>>)
    %barrier3A_247 = arith.constant 0 : index
    tpu.barrier barrier_id(%barrier3A_247)
    "tpu.region"() ({
      %run_scoped3A = tpu.sem_alloc : memref<!tpu.dma_semaphore, #tpu.memory_space<semaphore_mem>>
      %dma_start3A_248 = arith.constant 0 : i32
      %dma_start3A_249 = tpu.memref_slice %arg4[%arg0, %mul3A_7, %dma_start3A_248] : memref<2x10000x144xf32, #tpu.memory_space<hbm>> -> memref<1x625x144xf32, #tpu.memory_space<hbm>>
      %dma_start3A_250 = tpu.memref_squeeze %dma_start3A_249 : memref<1x625x144xf32, #tpu.memory_space<hbm>> -> memref<625x144xf32, #tpu.memory_space<hbm>>
      %dma_start3A_251 = arith.constant 0 : i32
      %dma_start3A_252 = tpu.memref_slice %arg8[%mul3A_7, %dma_start3A_251] : memref<10000x144xf32, #tpu.memory_space<vmem_shared>> -> memref<625x144xf32, #tpu.memory_space<vmem_shared>>
      tpu.enqueue_dma source(%dma_start3A_252 : memref<625x144xf32, #tpu.memory_space<vmem_shared>>) target(%dma_start3A_250 : memref<625x144xf32, #tpu.memory_space<hbm>>) target_semaphore(%run_scoped3A : memref<!tpu.dma_semaphore, #tpu.memory_space<semaphore_mem>>)
      %dma_wait3A_253 = arith.constant 0 : i32
      %dma_wait3A_254 = tpu.memref_slice %arg4[%arg0, %mul3A_7, %dma_wait3A_253] : memref<2x10000x144xf32, #tpu.memory_space<hbm>> -> memref<1x625x144xf32, #tpu.memory_space<hbm>>
      %dma_wait3A_255 = tpu.memref_squeeze %dma_wait3A_254 : memref<1x625x144xf32, #tpu.memory_space<hbm>> -> memref<625x144xf32, #tpu.memory_space<hbm>>
      %dma_wait3A_256 = arith.constant 0 : i32
      %dma_wait3A_257 = tpu.memref_slice %arg8[%mul3A_7, %dma_wait3A_256] : memref<10000x144xf32, #tpu.memory_space<vmem_shared>> -> memref<625x144xf32, #tpu.memory_space<vmem_shared>>
      tpu.wait_dma2 semaphore(%run_scoped3A : memref<!tpu.dma_semaphore, #tpu.memory_space<semaphore_mem>>) src(%dma_wait3A_257 : memref<625x144xf32, #tpu.memory_space<vmem_shared>>) dst(%dma_wait3A_255 : memref<625x144xf32, #tpu.memory_space<hbm>>)
      tpu.yield
    }) : () -> ()
    return
  }
}

module attributes {stable_mosaic.version = 14 : i64} {
  func.func @body(%arg0: i32, %arg1: memref<1000x128xf32, #tpu.memory_space<vmem>>, %arg2: memref<2x1000x144xf32, #tpu.memory_space<vmem>>, %arg3: memref<128x128xf32, #tpu.memory_space<vmem>>, %arg4: memref<128x128xf32, #tpu.memory_space<vmem>>, %arg5: memref<1x128xf32, #tpu.memory_space<vmem>>, %arg6: memref<128x40xf32, #tpu.memory_space<vmem>>, %arg7: memref<1x40xf32, #tpu.memory_space<vmem>>, %arg8: memref<1000x40xf32, #tpu.memory_space<vmem>>) attributes {dimension_semantics = [#tpu.dimension_semantics<arbitrary>], iteration_bounds = array<i64: 10>, scalar_prefetch = 0 : i64, scratch_operands = 0 : i64, tpu.core_type = #tpu.core_type<tc>, window_params = [{transform_indices = @transform_0, window_bounds = array<i64: 1000, 128>}, {transform_indices = @transform_1, window_bounds = array<i64: 2, 1000, 144>}, {pipeline_mode = #tpu.pipeline_mode<synchronous>, transform_indices = @transform_2, window_bounds = array<i64: 128, 128>}, {pipeline_mode = #tpu.pipeline_mode<synchronous>, transform_indices = @transform_3, window_bounds = array<i64: 128, 128>}, {pipeline_mode = #tpu.pipeline_mode<synchronous>, transform_indices = @transform_4, window_bounds = array<i64: 1, 128>}, {pipeline_mode = #tpu.pipeline_mode<synchronous>, transform_indices = @transform_5, window_bounds = array<i64: 128, 40>}, {pipeline_mode = #tpu.pipeline_mode<synchronous>, transform_indices = @transform_6, window_bounds = array<i64: 1, 40>}, {transform_indices = @transform_7, window_bounds = array<i64: 1000, 40>}]} {
    %get3A = arith.constant 0 : index
    %get3A_0 = arith.constant 0 : index
    %get3A_1 = arith.constant 0 : index
    %get3A_2 = vector.load %arg2[%get3A, %get3A_0, %get3A_1] : memref<2x1000x144xf32, #tpu.memory_space<vmem>>, vector<1x1000x128xf32>
    %get3A_3 = vector.shape_cast %get3A_2 : vector<1x1000x128xf32> to vector<1000x128xf32>
    %get3A_4 = arith.constant 1 : index
    %get3A_5 = arith.constant 0 : index
    %get3A_6 = arith.constant 0 : index
    %get3A_7 = vector.load %arg2[%get3A_4, %get3A_5, %get3A_6] : memref<2x1000x144xf32, #tpu.memory_space<vmem>>, vector<1x1000x128xf32>
    %get3A_8 = vector.shape_cast %get3A_7 : vector<1x1000x128xf32> to vector<1000x128xf32>
    %add3A = arith.addf %get3A_3, %get3A_8 : vector<1000x128xf32>
    %get3A_9 = arith.constant 0 : index
    %get3A_10 = arith.constant 0 : index
    %get3A_11 = arith.constant 128 : index
    %get3A_12 = vector.load %arg2[%get3A_9, %get3A_10, %get3A_11] : memref<2x1000x144xf32, #tpu.memory_space<vmem>>, vector<1x1000x1xf32>
    %get3A_13 = vector.shape_cast %get3A_12 : vector<1x1000x1xf32> to vector<1000xf32>
    %get3A_14 = arith.constant 1 : index
    %get3A_15 = arith.constant 0 : index
    %get3A_16 = arith.constant 128 : index
    %get3A_17 = vector.load %arg2[%get3A_14, %get3A_15, %get3A_16] : memref<2x1000x144xf32, #tpu.memory_space<vmem>>, vector<1x1000x1xf32>
    %get3A_18 = vector.shape_cast %get3A_17 : vector<1x1000x1xf32> to vector<1000xf32>
    %add3A_19 = arith.addf %get3A_13, %get3A_18 : vector<1000xf32>
    %max3A = arith.constant 1.000000e+00 : f32
    %max3A_20 = vector.broadcast %max3A : f32 to vector<1000xf32>
    %max3A_21 = arith.maximumf %add3A_19, %max3A_20 : vector<1000xf32>
    %broadcast_in_dim3A = vector.shape_cast %max3A_21 : vector<1000xf32> to vector<1000x1xf32>
    %div3A = vector.broadcast %broadcast_in_dim3A : vector<1000x1xf32> to vector<1000x128xf32>
    %div3A_22 = arith.divf %add3A, %div3A : vector<1000x128xf32>
    %get3A_23 = arith.constant 0 : index
    %get3A_24 = arith.constant 0 : index
    %get3A_25 = vector.load %arg1[%get3A_23, %get3A_24] : memref<1000x128xf32, #tpu.memory_space<vmem>>, vector<1000x128xf32>
    %get3A_26 = arith.constant 0 : index
    %get3A_27 = arith.constant 0 : index
    %get3A_28 = vector.load %arg3[%get3A_26, %get3A_27] : memref<128x128xf32, #tpu.memory_space<vmem>>, vector<128x128xf32>
    %dot_general3A = arith.constant dense<0.000000e+00> : vector<1000x128xf32>
    %dot_general3A_29 = tpu.matmul %get3A_25, %get3A_28, %dot_general3A {dimension_numbers = #tpu.dot_dimension_numbers<[1], [0], [0], [1], [0, 0, 1, 1], [], []>, transpose_lhs_hint = false} : vector<1000x128xf32>, vector<128x128xf32>, vector<1000x128xf32> -> vector<1000x128xf32>
    %get3A_30 = arith.constant 0 : index
    %get3A_31 = arith.constant 0 : index
    %get3A_32 = vector.load %arg4[%get3A_30, %get3A_31] : memref<128x128xf32, #tpu.memory_space<vmem>>, vector<128x128xf32>
    %dot_general3A_33 = arith.constant dense<0.000000e+00> : vector<1000x128xf32>
    %dot_general3A_34 = tpu.matmul %div3A_22, %get3A_32, %dot_general3A_33 {dimension_numbers = #tpu.dot_dimension_numbers<[1], [0], [0], [1], [0, 0, 1, 1], [], []>, transpose_lhs_hint = false} : vector<1000x128xf32>, vector<128x128xf32>, vector<1000x128xf32> -> vector<1000x128xf32>
    %add3A_35 = arith.addf %dot_general3A_29, %dot_general3A_34 : vector<1000x128xf32>
    %get3A_36 = arith.constant 0 : index
    %get3A_37 = arith.constant 0 : index
    %get3A_38 = vector.load %arg5[%get3A_36, %get3A_37] : memref<1x128xf32, #tpu.memory_space<vmem>>, vector<1x128xf32>
    %add3A_39 = vector.broadcast %get3A_38 : vector<1x128xf32> to vector<1000x128xf32>
    %add3A_40 = arith.addf %add3A_35, %add3A_39 : vector<1000x128xf32>
    %max3A_41 = arith.constant 0.000000e+00 : f32
    %max3A_42 = vector.broadcast %max3A_41 : f32 to vector<1000x128xf32>
    %max3A_43 = arith.maximumf %add3A_40, %max3A_42 : vector<1000x128xf32>
    %get3A_44 = arith.constant 0 : index
    %get3A_45 = arith.constant 0 : index
    %get3A_46 = vector.load %arg6[%get3A_44, %get3A_45] : memref<128x40xf32, #tpu.memory_space<vmem>>, vector<128x40xf32>
    %dot_general3A_47 = arith.constant dense<0.000000e+00> : vector<1000x40xf32>
    %dot_general3A_48 = tpu.matmul %max3A_43, %get3A_46, %dot_general3A_47 {dimension_numbers = #tpu.dot_dimension_numbers<[1], [0], [0], [1], [0, 0, 1, 1], [], []>, transpose_lhs_hint = false} : vector<1000x128xf32>, vector<128x40xf32>, vector<1000x40xf32> -> vector<1000x40xf32>
    %get3A_49 = arith.constant 0 : index
    %get3A_50 = arith.constant 0 : index
    %get3A_51 = vector.load %arg7[%get3A_49, %get3A_50] : memref<1x40xf32, #tpu.memory_space<vmem>>, vector<1x40xf32>
    %add3A_52 = vector.broadcast %get3A_51 : vector<1x40xf32> to vector<1000x40xf32>
    %add3A_53 = arith.addf %dot_general3A_48, %add3A_52 : vector<1000x40xf32>
    %swap3A = arith.constant 0 : index
    %swap3A_54 = arith.constant 0 : index
    %swap3A_55 = vector.load %arg8[%swap3A, %swap3A_54] : memref<1000x40xf32, #tpu.memory_space<vmem>>, vector<1000x40xf32>
    tpu.vector_store %arg8[%swap3A, %swap3A_54], %add3A_53 {strides = array<i32>} : memref<1000x40xf32, #tpu.memory_space<vmem>>, vector<1000x40xf32>,
    return
  }
  func.func @transform_0(%arg0: i32) -> (i32, i32) {
    %c0_i32 = arith.constant 0 : i32
    %c0_i32_0 = arith.constant 0 : i32
    return %arg0, %c0_i32 : i32, i32
  }
  func.func @transform_1(%arg0: i32) -> (i32, i32, i32) {
    %c0_i32 = arith.constant 0 : i32
    %c0_i32_0 = arith.constant 0 : i32
    %c0_i32_1 = arith.constant 0 : i32
    return %c0_i32, %arg0, %c0_i32_0 : i32, i32, i32
  }
  func.func @transform_2(%arg0: i32) -> (i32, i32) {
    %c0_i32 = arith.constant 0 : i32
    %c0_i32_0 = arith.constant 0 : i32
    %c0_i32_1 = arith.constant 0 : i32
    return %c0_i32, %c0_i32_0 : i32, i32
  }
  func.func @transform_3(%arg0: i32) -> (i32, i32) {
    %c0_i32 = arith.constant 0 : i32
    %c0_i32_0 = arith.constant 0 : i32
    %c0_i32_1 = arith.constant 0 : i32
    return %c0_i32, %c0_i32_0 : i32, i32
  }
  func.func @transform_4(%arg0: i32) -> (i32, i32) {
    %c0_i32 = arith.constant 0 : i32
    %c0_i32_0 = arith.constant 0 : i32
    %c0_i32_1 = arith.constant 0 : i32
    return %c0_i32, %c0_i32_0 : i32, i32
  }
  func.func @transform_5(%arg0: i32) -> (i32, i32) {
    %c0_i32 = arith.constant 0 : i32
    %c0_i32_0 = arith.constant 0 : i32
    %c0_i32_1 = arith.constant 0 : i32
    return %c0_i32, %c0_i32_0 : i32, i32
  }
  func.func @transform_6(%arg0: i32) -> (i32, i32) {
    %c0_i32 = arith.constant 0 : i32
    %c0_i32_0 = arith.constant 0 : i32
    %c0_i32_1 = arith.constant 0 : i32
    return %c0_i32, %c0_i32_0 : i32, i32
  }
  func.func @transform_7(%arg0: i32) -> (i32, i32) {
    %c0_i32 = arith.constant 0 : i32
    %c0_i32_0 = arith.constant 0 : i32
    return %arg0, %c0_i32 : i32, i32
  }
}

</mosaic_0001>

<sc_bundles>
// kernel: kernel.4.cloned.1.call-start
scs
__scs_entry_jumppad:
0x0: {  	(pc) =	sbr.rel $0x88, $3  }
0x1: {  	(tag) =	ssettag $0x0;
	lr =	simm.s32 $0x1  }
0x2: {  	[smem:$0x3F9A] =	sst lr;
	_ =	strace $0xD0000000  }
0x3: {  	_ = 	snop  }
0x4: {  	_ = 	snop  }
0x5: {  	_ = 	snop  }
0x6: {  	_ = 	snop  }
0x7: {  	_ = 	snop  }
__scs_overlays_trampoline_lowered:
0x8: {  	[smem:$0x3FA9] =	sst s0  }
0x9: {  	[smem:$0x3FAA] =	sst s1  }
0xa: {  	[smem:$0x3FAB] =	sst s2  }
0xb: {  	[smem:$0x3FAC] =	sst s3  }
0xc: {  	[smem:$0x3FAD] =	sst s4  }
0xd: {  	[smem:$0x3FAE] =	sst s5  }
0xe: {  	[smem:$0x3FAF] =	sst s6  }
0xf: {  	[smem:$0x3FB0] =	sst s7  }
0x10: {  	[smem:$0x3FB1] =	sst s8  }
0x11: {  	[smem:$0x3FB2] =	sst s9;
	s0 =	simm.s32 @!p0 $0x0  }
0x12: {  	s1 =	sld [smem:$0x3F98];
	s0 =	simm.s32 @p0 $0x1  }
0x13: {  	[smem:$0x3FB3] =	sst s0;
	s0 =	simm.s32 @!p1 $0x0  }
0x14: {  	s2 =	sld [smem:$0x3F97];
	s0 =	simm.s32 @p1 $0x1  }
0x15: {  	[smem:$0x3FB4] =	sst s0;
	s0 =	simm.s32 @!p2 $0x0  }
0x16: {  	s3 =	sld [smem:$0x3FDB];
	s0 =	simm.s32 @p2 $0x1  }
0x17: {  	s4 =	simm.s32 $0x1BF5;
	[smem:$0x3FB6] =	sst s0  }
0x18: {  	s0 =	sld [smem:$0x3F99];
	_ =	swait.ge [sflag:s4], $0x0  }
0x19: {  	s7 =	sld [smem:$0x3F9A]  }
0x1a: {  	s8 =	sadd.s32 $0xFFFFE003, lr  }
0x1b: {  	s9 =	sadd.s32 $0xFFFFFEF7, lr;
	s5 =	simm.s32 $0xFFFFFFFF;
	p2 =	slt.u32 s8, $0xFFFFF086  }
0x1c: {  	p1 =	slt.u32 s9, $0xF7A;
	s5 =	simm.s32 @!p2 $0x0  }
0x1d: {  	s5 =	simm.s32 @p1 $0x1;
	p0 =	seq.s32 s7, s2  }
0x1e: {  	s7 =	smul.u32 @!p0 $0xF7A, s2;
	p2 =	seq.s32 @!p0 s5, $0x0  }
0x1f: {  	s9 =	smul.u32 $0xF7A, s1;
	s8 =	simm.s32 @!p0 $0x1BF5;
	p2 =	por !p2, p0  }
0x20: {  	[sflag:s8] =	ssyncset.s32 @!p0 $0xFFFFF086;
	s6 =	sadd.s32 @!p0 s3, s7;
	s7 =	simm.s32 @!p0 $0x108  }
0x21: {  	s3 =	sadd.s32 s3, s9;
	s6 =	sadd.s32 @!p0 $0x88, s6;
	s7 =	simm.s32 @p2 $0x1082  }
0x22: {  	[simem:s7], [sflag:s8] =	dma.local @!p0 [hbm:s6], $0xF7A  }
0x23: {  	s9 =	sor.u32 $0xD0000000, s2;
	s6 =	simm.s32 $0x108;
	_ =	swait.ge @!p0 [sflag:s8], $0x0  }
0x24: {  	s3 =	sadd.s32 $0x88, s3;
	s6 =	simm.s32 @!p1 $0x1082;
	[sflag:s4] =	ssyncset.s32 $0xFFFFF086  }
0x25: {  	[simem:s6], [sflag:s4] =	dma.local [hbm:s3], $0xF7A  }
0x26: {  	[smem:$0x3F9A] =	sst s1;
	(tag) =	ssettag s2;
	_ =	strace s9  }
0x27: {  	s1 =	sld [smem:$0x3FAA]  }
0x28: {  	s2 =	sld [smem:$0x3FAB]  }
0x29: {  	s4 =	sld [smem:$0x3FAD]  }
0x2a: {  	p0 =	seq.s32 s5, $0x0;
	s5 =	sld [smem:$0x3FAE]  }
0x2b: {  	s6 =	sld [smem:$0x3FAF]  }
0x2c: {  	s7 =	sld [smem:$0x3FB0]  }
0x2d: {  	s3 =	simm.s32 $0x108;
	s8 =	sld [smem:$0x3FB1]  }
0x2e: {  	s3 =	simm.s32 @!p0 $0x1082;
	s9 =	sld [smem:$0x3FB2]  }
0x2f: {  	lr =	sadd.s32 s0, s3;
	s0 =	sld [smem:$0x3FA9]  }
0x30: {  	s3 =	sld [smem:$0x3FAC]  }
0x31: {  	[smem:$0x3FB5] =	sst s10  }
0x32: {  	s10 =	sld [smem:$0x3FB3];
	_ =	sdelay $0x3  }
0x33: {  	p0 =	seq.s32 s10, $0x1;
	s10 =	sld [smem:$0x3FB5];
	_ =	sdelay $0x3  }
0x34: {  	[smem:$0x3FB5] =	sst s10  }
0x35: {  	s10 =	sld [smem:$0x3FB4];
	_ =	sdelay $0x3  }
0x36: {  	p1 =	seq.s32 s10, $0x1;
	s10 =	sld [smem:$0x3FB5];
	_ =	sdelay $0x3  }
0x37: {  	[smem:$0x3FB5] =	sst s10  }
0x38: {  	s10 =	sld [smem:$0x3FB6]  }
0x39: {  	_ = 	snop;
	(pc) =	sbr.ind lr, $3  }
0x3a: {  	_ = 	snop  }
0x3b: {  	_ = 	snop  }
0x3c: {  	p2 =	seq.s32 s10, $0x1;
	s10 =	sld [smem:$0x3FB5]  }
0x3d: {  	_ =	shalt  }
0x3e: {  	_ =	shalt  }
0x3f: {  	_ =	shalt  }
0x40: {  	_ =	shalt  }
0x41: {  	_ =	shalt  }
0x42: {  	_ =	shalt  }
0x43: {  	_ =	shalt  }
0x44: {  	_ =	shalt  }
0x45: {  	_ =	shalt  }
0x46: {  	_ =	shalt  }
0x47: {  	_ =	shalt  }
0x48: {  	_ =	shalt  }
0x49: {  	_ =	shalt  }
0x4a: {  	_ =	shalt  }
0x4b: {  	_ =	shalt  }
0x4c: {  	_ =	shalt  }
0x4d: {  	_ =	shalt  }
0x4e: {  	_ =	shalt  }
0x4f: {  	_ =	shalt  }
0x50: {  	_ =	shalt  }
0x51: {  	_ =	shalt  }
0x52: {  	_ =	shalt  }
0x53: {  	_ =	shalt  }
0x54: {  	_ =	shalt  }
0x55: {  	_ =	shalt  }
0x56: {  	_ =	shalt  }
0x57: {  	_ =	shalt  }
0x58: {  	_ =	shalt  }
0x59: {  	_ =	shalt  }
0x5a: {  	_ =	shalt  }
0x5b: {  	_ =	shalt  }
0x5c: {  	_ =	shalt  }
0x5d: {  	_ =	shalt  }
0x5e: {  	_ =	shalt  }
0x5f: {  	_ =	shalt  }
0x60: {  	_ =	shalt  }
0x61: {  	_ =	shalt  }
0x62: {  	_ =	shalt  }
0x63: {  	_ =	shalt  }
0x64: {  	_ =	shalt  }
0x65: {  	_ =	shalt  }
0x66: {  	_ =	shalt  }
0x67: {  	_ =	shalt  }
0x68: {  	_ =	shalt  }
0x69: {  	_ =	shalt  }
0x6a: {  	_ =	shalt  }
0x6b: {  	_ =	shalt  }
0x6c: {  	_ =	shalt  }
0x6d: {  	_ =	shalt  }
0x6e: {  	_ =	shalt  }
0x6f: {  	_ =	shalt  }
0x70: {  	_ =	shalt  }
0x71: {  	_ =	shalt  }
0x72: {  	_ =	shalt  }
0x73: {  	_ =	shalt  }
0x74: {  	_ =	shalt  }
0x75: {  	_ =	shalt  }
0x76: {  	_ =	shalt  }
0x77: {  	_ =	shalt  }
0x78: {  	_ =	shalt  }
0x79: {  	_ =	shalt  }
0x7a: {  	_ =	shalt  }
0x7b: {  	_ =	shalt  }
0x7c: {  	_ =	shalt  }
0x7d: {  	_ =	shalt  }
0x7e: {  	_ =	shalt  }
0x7f: {  	_ =	shalt  }
0x80: {  	_ =	shalt  }
0x81: {  	_ =	shalt  }
0x82: {  	_ =	shalt  }
0x83: {  	_ =	shalt  }
0x84: {  	_ =	shalt  }
0x85: {  	_ =	shalt  }
0x86: {  	_ =	shalt  }
0x87: {  	_ =	shalt  }
.Lfunc_end0:
.L_simem_size_0:
called_computation_lowered:
.L_overlay_start_0:
0x88: {  	s2 =	sld [smem:$0x3FD9]  }
0x89: {  	s3 =	sld [smem:$0x3FFE];
	_ =	sdelay $0x1  }
0x8a: {  	s1 =	srdreg.scid  }
0x8b: {  	s0 =	sand.u32 $0x1, s1  }
0x8c: {  	s16 =	sshll.u32 s0, $0xA;
	s2 =	sadd.s32 s3, s2  }
0x8d: {  	s2 =	sadd.s32 s2, s16  }
0x8e: {  	[smem:$0x3FC1] =	sst s2  }
0x8f: {  	_ = 	snop  }
0x90: {  	(tm) =	ssettm $0x1  }
0x91: {  	s17 =	sld [smem:$0x3FFB];
	_ =	sdelay $0x3  }
0x92: {  	_ =	strace s17  }
0x93: {  	s2 =	sld [smem:$0x3FFC];
	_ =	sdelay $0x3  }
0x94: {  	_ =	strace s2  }
0x95: {  	s2 =	sld [smem:$0x3FFD];
	_ =	sdelay $0x3  }
0x96: {  	_ =	strace s2  }
0x97: {  	_ =	strace $0x8FFFFFFF  }
0x98: {  	s18 =	sld [smem:$0x3FDB];
	_ =	sdelay $0x1  }
0x99: {  	s19 =	simm.s32 $_scs_section_size  }
0x9a: {  	s4 =	simm.s32 $_size__tile_overlayer_lowered;
	s5 =	simm.s32 $_tile_overlayer_lowered  }
0x9b: {  	s22 =	simm.s32 $0x1BFF;
	s21 =	sshll.u32 s5, $0x1;
	s2 =	sadd.s32 s19, s18  }
0x9c: {  	s6 =	simm.s32 $0x0;
	s20 =	sshll.u32 s4, $0x1;
	s4 =	sadd.s32 s21, s2  }
0x9d: {  	[timem:s6], [sflag:s22] =	dma.local [hbm:s4], s20  }
0x9e: {  	_ =	swait.ge [sflag:s22], s20  }
0x9f: {  	s3 =	ssub.s32 $0x0, s20;
	[sflag:s22] =	ssyncset.done $0x0  }
0xa0: {  	[sflag:s22] =	ssyncadd.s32 s3;
	_ =	sdelay $0x1  }
0xa1: {  	s23 =	simm.s32 $0x1B8B  }
0xa2: {  	_ =	swait.ge [sflag:s23], $0x1  }
0xa3: {  	[sflag:s23] =	ssyncset.done $0x0  }
0xa4: {  	s25 =	simm.s32 $0x1B8E;
	s24 =	sld [smem:$0x3FFE];
	[sflag:s23] =	ssyncadd.s32 $0xFFFFFFFF  }
0xa5: {  	s26 =	simm.s32 $execute0_lowered;
	[smem:$0x3FD2] =	sst s25  }
0xa6: {  	s4 =	sshll.u32 s26, $0x1;
	_ =	strace $0x80000046;
	[dreg:$0x1] =	wrdreg $0xFFFFFFFF  }
0xa7: {  	s28 =	simm.s32 $_size_execute0_lowered;
	s2 =	sadd.s32 s2, s4;
	[dreg:$0x0] =	wrdreg $0x0  }
0xa8: {  	s4 =	sshll.u32 s28, $0x1;
	[dreg:$0x2] =	wrdreg s2  }
0xa9: {  	[dreg:$0x3] =	wrdreg s4  }
0xaa: {  	[dreg:$0x4] =	wrdreg $0xC0  }
0xab: {  	_ =	task [dreg:s6], $0x5FFFF  }
0xac: {  	[dreg:$0x1] =	wrdreg $0xFFFFFFFF  }
0xad: {  	[dreg:$0x0] =	wrdreg $0x60  }
0xae: {  	[dreg:$0x2] =	wrdreg s24  }
0xaf: {  	[dreg:$0x3] =	wrdreg $0x5C800  }
0xb0: {  	[dreg:$0x4] =	wrdreg $0x9  }
0xb1: {  	_ =	task.clear_ibuf [dreg:s6], $0x5FFFF;
	_ =	strace $0x90000046  }
0xb2: {  	s29 =	simm.s32 $0x9;
	_ =	strace $0x80000048  }
0xb3: {  	_ =	swait.ge [sflag:s29], $0x1  }
0xb4: {  	[sflag:s29] =	ssyncadd.s32 $0xFFFFFFFF  }
0xb5: {  	_ =	strace $0x90000048  }
0xb6: {  	_ =	sfence  }
0xb7: {  	s30 =	sld [smem:$0x0];
	_ =	sdelay $0x2  }
0xb8: {  	s31 =	sshll.u32 s1, $0xD;
	s1 =	sshrl.u32 s1, $0x2  }
0xb9: {  	s3 =	sand.u32 $0x4000, s31;
	s1 =	sadd.s32 s1, s30  }
0xba: {  	s0 =	sor.u32 s3, s0;
	s1 =	sshll.u32 s1, $0x11  }
0xbb: {  	s0 =	sor.u32 s1, s0  }
0xbc: {  	s0 =	sadd.s32 $0x8F2B, s0  }
0xbd: {  	[sflag:s0] =	ssyncadd.remote.s32 $0x1  }
0xbe: {  	_ =	sfence.sel $0xFFFF  }
0xbf: {  	[dreg:$0x0] =	wrdreg $0xFFFFFFFF;
	(pc) =	sbr.abs _section_cstart, $3  }
0xc0: {  	[dreg:$0x1] =	wrdreg $0xFFFFFFFF  }
0xc1: {  	_ =	task.clear_ibuf [dreg:s6], $0x2FFFF;
	_ =	strace $0x9FFFFFFF  }
0xc2: {  	(tm) =	ssettm $0x7FFFFFFF  }
0xc3: {  	_ =	shalt  }
tec
execute0_lowered:
.L_overlay_start_1:
0x0: {  	(tag) =	ssettag $0x1  }
0x1: {  	s0 =	rddreg [dreg:$0x0];
	s1 =	srdreg.scid  }
0x2: {  	s11 =	stileid.u32;
	s2 =	rddreg [dreg:$0x1];
	s3 =	simm.s32 $0x0  }
0x3: {  	s28 =	simm.s32 $0x2;
	s29 =	simm.s32 $0x3;
	s6 =	smul.u32 $0x15F90, s11  }
0x4: {  	s30 =	simm.s32 $0x7;
	s31 =	simm.s32 $0x4;
	s8 =	smul.u32 $0x57E40, s11  }
0x5: {  	s1 =	sand.u32 $0x1, s1;
	[smem:$0x7FF] =	sst s3;
	s13 =	smul.u32 $0x4E20, s11  }
0x6: {  	s4 =	sadd.s32 $0x2D800, s0;
	s9 =	sshll.u32 s11, $0x1;
	s5 =	smul.u32 $0x15F900, s1  }
0x7: {  	_ =	strace $0x80000047;
	s26 =	ssub.s32 $0x2, s1;
	s9 =	sor.u32 s1, s9  }
0x8: {  	s1 =	smul.u32 $0x2710, s1;
	s10 =	sshrl.u32 s26, $0x1;
	s8 =	sshrl.u32 s8, $0x2  }
0x9: {  	s9 =	smul.u32 $0x2710, s9;
	s7 =	sadd.s32 s6, s5;
	s5 =	sadd.s32 $0x1800, s0  }
0xa: {  	s8 =	sadd.s32 s8, s2;
	s1 =	sadd.s32 s1, s13;
	s7 =	sshrl.u32 s7, $0x3  }
0xb: {  	s12 =	sadd.s32 $0x2D00, s8;
	s14 =	sadd.s32 $0x5A00, s8;
	s15 =	sadd.s32 $0x8700, s8  }
0xc: {  	s16 =	sadd.s32 $0xB400, s8;
	s17 =	sadd.s32 $0xE100, s8;
	[dreg:$0x4] =	wrdreg s12  }
0xd: {  	s9 =	sshrl.u32 s9, $0x3;
	s18 =	sadd.s32 $0x10E00, s8;
	[dreg:$0x5] =	wrdreg s14  }
0xe: {  	s19 =	sadd.s32 $0x13B00, s8;
	s21 =	sadd.s32 $0x230, s1;
	[dreg:$0x6] =	wrdreg s15  }
0xf: {  	s24 =	sadd.s32 $0x4E430, s1;
	s25 =	sadd.s32 $0x1E0, s1;
	[dreg:$0x7] =	wrdreg s16  }
0x10: {  	s8 =	sadd.s32 $0x190, s1;
	s11 =	sadd.s32 $0x4E390, s1;
	[dreg:$0x8] =	wrdreg s17  }
0x11: {  	s0 =	sadd.s32 s7, s0;
	s7 =	ssub.s32 s26, s10;
	[dreg:$0x9] =	wrdreg s18  }
0x12: {  	s10 =	sadd.s32 s6, s2;
	s9 =	sadd.s32 s4, s9;
	[dreg:$0xb] =	wrdreg s19  }
0x13: {  	s26 =	sadd.s32 $0x4E3E0, s1;
	s12 =	sadd.s32 $0x4E340, s1;
	s1 =	sadd.s32 $0x140, s1  }
0x14: {  	s23 =	sshrl.u32 s21, $0x3;
	s6 =	sshrl.u32 s25, $0x3;
	[dreg:$0xf] =	wrdreg s1  }
0x15: {  	s18 =	smov.u32 s4;
	s20 =	sadd.s32 $0x9C40, s9;
	[dreg:$0xa] =	wrdreg s9  }
0x16: {  	s0 =	sadd.s32 $0x41200, s0;
	s22 =	smax.u32 s7, $0x1;
	[dreg:$0x3] =	wrdreg s10  }
0x17: {  	s7 =	sshrl.u32 s26, $0x3;
	s13 =	sshrl.u32 s12, $0x3;
	[dreg:$0xc] =	wrdreg s20  }
0x18: {  	s14 =	sadd.s32 $0xA, s9;
	s15 =	sadd.s32 $0x9C4A, s9;
	[dreg:$0xd] =	wrdreg s0  }
0x19: {  	s16 =	sadd.s32 $0x14, s9;
	s17 =	sadd.s32 $0x9C54, s9;
	[dreg:$0xe] =	wrdreg s22  }
0x1a: {  	s26 =	sadd.s32 $0x9C5E, s9;
	s12 =	simm.s32 $0x190;
	[dreg:$0x10] =	wrdreg s14  }
0x1b: {  	s1 =	simm.s32 $0x8;
	s0 =	sadd.s32 s23, s4;
	[dreg:$0x11] =	wrdreg s15  }
0x1c: {  	s20 =	sadd.s32 s6, s4;
	s21 =	sadd.s32 s7, s4;
	[dreg:$0x12] =	wrdreg s16  }
0x1d: {  	s6 =	sshrl.u32 s11, $0x3;
	s25 =	sadd.s32 s13, s4;
	[dreg:$0x13] =	wrdreg s17  }
0x1e: {  	[dreg:$0x15] =	wrdreg s26;
	s7 =	simm.s32 $0x9;
	s11 =	simm.s32 $0x140  }
0x1f: {  	s14 =	simm.s32 $0x1E0;
	s15 =	simm.s32 $0x230;
	s16 =	simm.s32 $0x5  }
.Ltmp0:
0x20: {  	s17 =	simm.s32 $0x6;
	s26 =	simm.s32 $0x2F80;
	(pc) =	sbr.rel .LBB2_1-.Ltmp0, $4  }
0x21: {  	[dreg:$0x16] =	wrdreg s0;
	s0 =	sshrl.u32 s24, $0x3;
	s23 =	sadd.s32 s6, s4  }
0x22: {  	s24 =	sadd.s32 $0x1E, s9;
	s19 =	sadd.s32 s0, s4;
	s0 =	sshrl.u32 s8, $0x3  }
0x23: {  	[dreg:$0x14] =	wrdreg s24;
	s8 =	simm.s32 $0x50;
	s24 =	simm.s32 $0x1  }
0x24: {  	v0 =	vimm.f32 $0.0e+00;
	s22 =	sadd.s32 s0, s4;
	s0 =	simm.s32 $0x280;
	s4 =	simm.s32 $0x0  }
.LBB2_6:
0x25: {  	_ =	swait.ge [sflag:s16], $0x50  }
0x26: {  	[sflag:s16] =	ssyncset.done $0x0  }
0x27: {  	[sflag:s16] =	ssyncadd.s32 $0xFFFFFFB0  }
0x28: {  	_ =	swait.ge [sflag:s16], $0x50  }
0x29: {  	[sflag:s16] =	ssyncset.done $0x0  }
0x2a: {  	[sflag:s16] =	ssyncadd.s32 $0xFFFFFFB0  }
0x2b: {  	[tilespmem:s0], [sflag:$0x1] =	stream.indirect.gather [hbm4b:s5+s8], $0x90, s3, s8, $0xb8;
	[tilespmem:$0x1BC10] =	vst v63  }
0x2c: {  	_ =	swait.ge [sflag:s31], $0x2D00  }
0x2d: {  	[sflag:s31] =	ssyncset.done $0x0  }
0x2e: {  	[sflag:s31] =	ssyncadd.s32 $0xFFFFD300  }
0x2f: {  	_ =	swait.ge [sflag:s24], $0x2D00  }
0x30: {  	[sflag:s24] =	ssyncset.done $0x0  }
0x31: {  	[sflag:s24] =	ssyncadd.s32 $0xFFFFD300  }
0x32: {  	[spmem:s2] =	stream.indirect.scatter.add.f32 [tilespmem:s0], [sflag:$0x3], $0x90, s8, s8, $0xb8;
	[tilespmem:$0x1BC10] =	vst v63  }
0x33: {  	_ =	swait.ge [sflag:s29], $0x2D00  }
0x34: {  	[sflag:s29] =	ssyncset.done $0x0  }
0x35: {  	[sflag:s29] =	ssyncadd.s32 $0xFFFFD300  }
0x36: {  	s6 =	stileid.u32;
	[bflag:$0x0] =	sbarrier.arrive $0xFFFF  }
0x37: {  	s6 =	sshll.u32 s6, $0x6;
	s10 =	rddreg [dreg:$0x3]  }
0x38: {  	s6 =	sor.u32 $0x1C09, s6;
	s9 =	rddreg [dreg:$0xd];
	s7 =	sshrl.u32 s10, $0x3  }
0x39: {  	[hbm:s9], [sflag:s6] =	dma.local [spmem:s7], $0x2BF2  }
0x3a: {  	s7 =	simm.s32 $0x9  }
0x3b: {  	_ =	swait.ge [sflag:s7], $0x2BF2  }
0x3c: {  	s4 =	rddreg [dreg:$0x17]  }
0x3d: {  	s13 =	rddreg [dreg:$0xe];
	s4 =	sadd.s32 $0x1, s4  }
0x3e: {  	p0 =	sne.s32 s4, s13  }
.Ltmp1:
0x3f: {  	_ = 	snop;
	(pc) =	sbr.rel @!p0 .LBB2_7-.Ltmp1, $3  }
0x40: {  	_ =	sdelay $0x1  }
0x41: {  	[sflag:s7] =	ssyncset.done $0x0  }
0x42: {  	[sflag:s7] =	ssyncadd.s32 $0xFFFFD40E  }
.LBB2_1:
0x43: {  	[dreg:$0x17] =	wrdreg s4;
	s6 =	simm.s32 $0x0;
	s13 =	simm.s32 $0x240  }
.LBB2_2:
0x44: {  	p0 =	sne.s32 s13, $0xB1C0;
	[tilespmem:s6+$0x300] =	vst v0  }
0x45: {  	[tilespmem:s6+$0x280] =	vst v0  }
0x46: {  	[tilespmem:s6+$0x290] =	vst v0  }
0x47: {  	[tilespmem:s6+$0x2A0] =	vst v0  }
.Ltmp2:
0x48: {  	[tilespmem:s6+$0x2B0] =	vst v0;
	(pc) =	sbr.rel @p0 .LBB2_2-.Ltmp2, $4  }
0x49: {  	[tilespmem:s6+$0x2C0] =	vst v0  }
0x4a: {  	[tilespmem:s6+$0x2D0] =	vst v0  }
0x4b: {  	[tilespmem:s6+$0x2E0] =	vst v0  }
0x4c: {  	[tilespmem:s6+$0x2F0] =	vst v0;
	s6 =	sshra.s32 s13, $0x2;
	s13 =	sadd.s32 $0x240, s13  }
0x4d: {  	[tilespmem:s6+$0x300] =	vst v0  }
0x4e: {  	[tilespmem:s6+$0x280] =	vst v0  }
0x4f: {  	[tilespmem:s6+$0x290] =	vst v0  }
0x50: {  	[tilespmem:s6+$0x2A0] =	vst v0  }
0x51: {  	[tilespmem:s6+$0x2B0] =	vst v0  }
0x52: {  	[tilespmem:s6+$0x2C0] =	vst v0  }
0x53: {  	[tilespmem:s6+$0x2D0] =	vst v0  }
0x54: {  	[tilespmem:s6+$0x2E0] =	vst v0  }
0x55: {  	[tilespmem:s6+$0x2F0] =	vst v0  }
0x56: {  	[spmem:s10] =	stream.linear.scatter [tilespmem:s0], [sflag:$0x9], $0x2D00, $0x38;
	[tilespmem:$0x1BC10] =	vst v63  }
0x57: {  	_ =	swait.ge [sflag:s7], $0x2D00  }
0x58: {  	[sflag:s7] =	ssyncset.done $0x0  }
0x59: {  	s13 =	rddreg [dreg:$0x4];
	[sflag:s7] =	ssyncadd.s32 $0xFFFFD300  }
0x5a: {  	[spmem:s13] =	stream.linear.scatter [tilespmem:s0], [sflag:$0x9], $0x2D00, $0x38;
	[tilespmem:$0x1BC10] =	vst v63  }
0x5b: {  	_ =	swait.ge [sflag:s7], $0x2D00  }
0x5c: {  	[sflag:s7] =	ssyncset.done $0x0  }
0x5d: {  	s4 =	rddreg [dreg:$0x5];
	[sflag:s7] =	ssyncadd.s32 $0xFFFFD300  }
0x5e: {  	[spmem:s4] =	stream.linear.scatter [tilespmem:s0], [sflag:$0x9], $0x2D00, $0x38;
	[tilespmem:$0x1BC10] =	vst v63  }
0x5f: {  	_ =	swait.ge [sflag:s7], $0x2D00  }
0x60: {  	[sflag:s7] =	ssyncset.done $0x0  }
0x61: {  	s9 =	rddreg [dreg:$0x6];
	[sflag:s7] =	ssyncadd.s32 $0xFFFFD300  }
0x62: {  	[spmem:s9] =	stream.linear.scatter [tilespmem:s0], [sflag:$0x9], $0x2D00, $0x38;
	[tilespmem:$0x1BC10] =	vst v63  }
0x63: {  	_ =	swait.ge [sflag:s7], $0x2D00  }
0x64: {  	[sflag:s7] =	ssyncset.done $0x0  }
0x65: {  	s10 =	rddreg [dreg:$0x7];
	[sflag:s7] =	ssyncadd.s32 $0xFFFFD300  }
0x66: {  	[spmem:s10] =	stream.linear.scatter [tilespmem:s0], [sflag:$0x9], $0x2D00, $0x38;
	[tilespmem:$0x1BC10] =	vst v63  }
0x67: {  	_ =	swait.ge [sflag:s7], $0x2D00  }
0x68: {  	[sflag:s7] =	ssyncset.done $0x0  }
0x69: {  	s13 =	rddreg [dreg:$0x8];
	[sflag:s7] =	ssyncadd.s32 $0xFFFFD300  }
0x6a: {  	[spmem:s13] =	stream.linear.scatter [tilespmem:s0], [sflag:$0x9], $0x2D00, $0x38;
	[tilespmem:$0x1BC10] =	vst v63  }
0x6b: {  	_ =	swait.ge [sflag:s7], $0x2D00  }
0x6c: {  	[sflag:s7] =	ssyncset.done $0x0  }
0x6d: {  	s4 =	rddreg [dreg:$0x9];
	[sflag:s7] =	ssyncadd.s32 $0xFFFFD300  }
0x6e: {  	[spmem:s4] =	stream.linear.scatter [tilespmem:s0], [sflag:$0x9], $0x2D00, $0x38;
	[tilespmem:$0x1BC10] =	vst v63  }
0x6f: {  	_ =	swait.ge [sflag:s7], $0x2D00  }
0x70: {  	[sflag:s7] =	ssyncset.done $0x0  }
0x71: {  	s9 =	rddreg [dreg:$0xb];
	[sflag:s7] =	ssyncadd.s32 $0xFFFFD300  }
0x72: {  	[spmem:s9] =	stream.linear.scatter [tilespmem:s0], [sflag:$0x9], $0x2490, $0x38;
	[tilespmem:$0x1BC10] =	vst v63  }
0x73: {  	_ =	swait.ge [sflag:s7], $0x2490  }
0x74: {  	[sflag:s7] =	ssyncset.done $0x0  }
0x75: {  	s6 =	simm.s32 $0x0;
	s10 =	rddreg [dreg:$0xa];
	[sflag:s7] =	ssyncadd.s32 $0xFFFFDB70  }
0x76: {  	[tilespmem:s6], [sflag:$0x5] =	stream.linear.gather [hbm4b:s10+s6], $0x50, $0x38;
	[tilespmem:$0x1BC10] =	vst v63  }
0x77: {  	s13 =	rddreg [dreg:$0xc]  }
0x78: {  	[tilespmem:s8], [sflag:$0x5] =	stream.linear.gather [hbm4b:s13+s6], $0x50, $0x38;
	[tilespmem:$0x1BC10] =	vst v63  }
0x79: {  	s9 =	simm.s32 $0xA0;
	s4 =	rddreg [dreg:$0x10]  }
0x7a: {  	[tilespmem:s9], [sflag:$0x6] =	stream.linear.gather [hbm4b:s4+s6], $0x50, $0x38;
	[tilespmem:$0x1BC10] =	vst v63  }
0x7b: {  	s10 =	rddreg [dreg:$0x11];
	s4 =	simm.s32 $0xF0  }
0x7c: {  	[tilespmem:s4], [sflag:$0x6] =	stream.linear.gather [hbm4b:s10+s6], $0x50, $0x38;
	[tilespmem:$0x1BC10] =	vst v63  }
0x7d: {  	s13 =	rddreg [dreg:$0x12]  }
0x7e: {  	[tilespmem:s11], [sflag:$0x7] =	stream.linear.gather [hbm4b:s13+s6], $0x50, $0x38;
	[tilespmem:$0x1BC10] =	vst v63  }
0x7f: {  	s4 =	rddreg [dreg:$0x13]  }
0x80: {  	[tilespmem:s12], [sflag:$0x7] =	stream.linear.gather [hbm4b:s4+s6], $0x50, $0x38;
	[tilespmem:$0x1BC10] =	vst v63  }
0x81: {  	s10 =	rddreg [dreg:$0x14]  }
0x82: {  	[tilespmem:s14], [sflag:$0x8] =	stream.linear.gather [hbm4b:s10+s6], $0x50, $0x38;
	[tilespmem:$0x1BC10] =	vst v63  }
0x83: {  	s13 =	rddreg [dreg:$0x15]  }
0x84: {  	[tilespmem:s15], [sflag:$0x8] =	stream.linear.gather [hbm4b:s13+s6], $0x50, $0x38;
	[tilespmem:$0x1BC10] =	vst v63  }
0x85: {  	_ =	swait.ge [sflag:s16], $0x50  }
0x86: {  	[sflag:s16] =	ssyncset.done $0x0  }
0x87: {  	[sflag:s16] =	ssyncadd.s32 $0xFFFFFFB0  }
0x88: {  	_ =	swait.ge [sflag:s16], $0x50  }
0x89: {  	[sflag:s16] =	ssyncset.done $0x0  }
0x8a: {  	[sflag:s16] =	ssyncadd.s32 $0xFFFFFFB0  }
0x8b: {  	[tilespmem:s0], [sflag:$0x1] =	stream.indirect.gather [hbm4b:s5+s8], $0x90, s6, s8, $0xb8;
	[tilespmem:$0x1BC10] =	vst v63  }
0x8c: {  	_ =	swait.ge [sflag:s17], $0x50  }
0x8d: {  	[sflag:s17] =	ssyncset.done $0x0  }
0x8e: {  	[sflag:s17] =	ssyncadd.s32 $0xFFFFFFB0  }
0x8f: {  	_ =	swait.ge [sflag:s17], $0x50  }
0x90: {  	[sflag:s17] =	ssyncset.done $0x0  }
0x91: {  	[sflag:s17] =	ssyncadd.s32 $0xFFFFFFB0  }
0x92: {  	[tilespmem:s26], [sflag:$0x2] =	stream.indirect.gather [hbm4b:s5+s8], $0x90, s9, s8, $0xb8;
	[tilespmem:$0x1BC10] =	vst v63  }
0x93: {  	[bflag:$0x0] =	sbarrier.arrive $0xFFFF  }
0x94: {  	s4 =	simm.s32 $0xA0;
	s13 =	rddreg [dreg:$0xf]  }
.LBB2_4:
0x95: {  	_ =	swait.ge [sflag:s24], $0x2D00  }
0x96: {  	[sflag:s24] =	ssyncset.done $0x0  }
0x97: {  	[sflag:s24] =	ssyncadd.s32 $0xFFFFD300  }
0x98: {  	[spmem:s2] =	stream.indirect.scatter.add.f32 [tilespmem:s0], [sflag:$0x3], $0x90, s8, s8, $0xb8;
	[tilespmem:$0x1BC10] =	vst v63  }
0x99: {  	_ =	swait.ge [sflag:s28], $0x2D00  }
0x9a: {  	[sflag:s28] =	ssyncset.done $0x0  }
0x9b: {  	s7 =	simm.s32 $0xF0;
	[sflag:s28] =	ssyncadd.s32 $0xFFFFD300  }
0x9c: {  	[spmem:s2] =	stream.indirect.scatter.add.f32 [tilespmem:s26], [sflag:$0x4], $0x90, s7, s8, $0xb8;
	[tilespmem:$0x1BC10] =	vst v63  }
0x9d: {  	_ =	swait.ge [sflag:s29], $0x2D00  }
0x9e: {  	s9 =	sshrl.u32 s13, $0x3;
	[sflag:s29] =	ssyncset.done $0x0  }
0x9f: {  	s7 =	sadd.s32 s18, s9;
	[sflag:s29] =	ssyncadd.s32 $0xFFFFD300  }
0xa0: {  	[tilespmem:s3], [sflag:$0x5] =	stream.linear.gather [hbm4b:s7+s3], $0x50, $0x38;
	[tilespmem:$0x1BC10] =	vst v63  }
0xa1: {  	s10 =	sadd.s32 s6, s25  }
0xa2: {  	[tilespmem:s8], [sflag:$0x5] =	stream.linear.gather [hbm4b:s10+s3], $0x50, $0x38;
	[tilespmem:$0x1BC10] =	vst v63  }
0xa3: {  	_ =	swait.ge [sflag:s30], $0x50  }
0xa4: {  	[sflag:s30] =	ssyncset.done $0x0  }
0xa5: {  	[sflag:s30] =	ssyncadd.s32 $0xFFFFFFB0  }
0xa6: {  	_ =	swait.ge [sflag:s30], $0x50  }
0xa7: {  	[sflag:s30] =	ssyncset.done $0x0  }
0xa8: {  	[sflag:s30] =	ssyncadd.s32 $0xFFFFFFB0  }
0xa9: {  	[tilespmem:s0], [sflag:$0x1] =	stream.indirect.gather [hbm4b:s5+s8], $0x90, s11, s8, $0xb8;
	[tilespmem:$0x1BC10] =	vst v63  }
0xaa: {  	p0 =	seq.s32 s6, $0x4B0;
	_ =	swait.ge [sflag:s31], $0x2D00  }
0xab: {  	s9 =	simm.s32 @!p0 $0x0;
	[sflag:s31] =	ssyncset.done $0x0  }
0xac: {  	s7 =	sadd.s32 @!p0 s6, s22;
	s10 =	simm.s32 @!p0 $0xA0;
	[sflag:s31] =	ssyncadd.s32 $0xFFFFD300  }
0xad: {  	[tilespmem:s10], [sflag:$0x6] =	stream.linear.gather @!p0 [hbm4b:s7+s9], $0x50, $0x38;
	[tilespmem:$0x1BC10] =	vst v63  }
0xae: {  	s7 =	sadd.s32 @!p0 s6, s23;
	s10 =	simm.s32 @!p0 $0xF0  }
0xaf: {  	[tilespmem:s10], [sflag:$0x6] =	stream.linear.gather @!p0 [hbm4b:s7+s9], $0x50, $0x38;
	[tilespmem:$0x1BC10] =	vst v63  }
0xb0: {  	_ =	swait.ge [sflag:s1], $0x50  }
0xb1: {  	[sflag:s1] =	ssyncset.done $0x0  }
0xb2: {  	[sflag:s1] =	ssyncadd.s32 $0xFFFFFFB0  }
0xb3: {  	_ =	swait.ge [sflag:s1], $0x50  }
0xb4: {  	[sflag:s1] =	ssyncset.done $0x0  }
0xb5: {  	[sflag:s1] =	ssyncadd.s32 $0xFFFFFFB0  }
0xb6: {  	[tilespmem:s26], [sflag:$0x2] =	stream.indirect.gather [hbm4b:s5+s8], $0x90, s14, s8, $0xb8;
	[tilespmem:$0x1BC10] =	vst v63  }
0xb7: {  	_ =	swait.ge [sflag:s24], $0x2D00  }
0xb8: {  	[sflag:s24] =	ssyncset.done $0x0  }
0xb9: {  	[sflag:s24] =	ssyncadd.s32 $0xFFFFD300  }
0xba: {  	[spmem:s2] =	stream.indirect.scatter.add.f32 [tilespmem:s0], [sflag:$0x3], $0x90, s12, s8, $0xb8;
	[tilespmem:$0x1BC10] =	vst v63  }
0xbb: {  	_ =	swait.ge [sflag:s28], $0x2D00  }
0xbc: {  	[sflag:s28] =	ssyncset.done $0x0  }
.Ltmp3:
0xbd: {  	[sflag:s28] =	ssyncadd.s32 $0xFFFFD300;
	(pc) =	sbr.rel @p0 .LBB2_6-.Ltmp3, $4  }
0xbe: {  	[spmem:s2] =	stream.indirect.scatter.add.f32 [tilespmem:s26], [sflag:$0x4], $0x90, s15, s8, $0xb8;
	[tilespmem:$0x1BC10] =	vst v63  }
0xbf: {  	_ =	swait.ge [sflag:s29], $0x2D00  }
0xc0: {  	[sflag:s29] =	ssyncset.done $0x0  }
0xc1: {  	[sflag:s29] =	ssyncadd.s32 $0xFFFFD300  }
0xc2: {  	s7 =	sadd.s32 s6, s20  }
0xc3: {  	[tilespmem:s11], [sflag:$0x7] =	stream.linear.gather [hbm4b:s7+s3], $0x50, $0x38;
	[tilespmem:$0x1BC10] =	vst v63  }
0xc4: {  	s10 =	sadd.s32 s6, s21  }
0xc5: {  	[tilespmem:s12], [sflag:$0x7] =	stream.linear.gather [hbm4b:s10+s3], $0x50, $0x38;
	[tilespmem:$0x1BC10] =	vst v63  }
0xc6: {  	_ =	swait.ge [sflag:s16], $0x50  }
0xc7: {  	[sflag:s16] =	ssyncset.done $0x0  }
0xc8: {  	[sflag:s16] =	ssyncadd.s32 $0xFFFFFFB0  }
0xc9: {  	_ =	swait.ge [sflag:s16], $0x50  }
0xca: {  	[sflag:s16] =	ssyncset.done $0x0  }
0xcb: {  	[sflag:s16] =	ssyncadd.s32 $0xFFFFFFB0  }
0xcc: {  	[tilespmem:s0], [sflag:$0x1] =	stream.indirect.gather [hbm4b:s5+s8], $0x90, s3, s8, $0xb8;
	[tilespmem:$0x1BC10] =	vst v63  }
0xcd: {  	_ =	swait.ge [sflag:s31], $0x2D00  }
0xce: {  	[sflag:s31] =	ssyncset.done $0x0;
	s9 =	rddreg [dreg:$0x16]  }
0xcf: {  	[sflag:s31] =	ssyncadd.s32 $0xFFFFD300;
	s7 =	sadd.s32 s6, s9  }
0xd0: {  	[tilespmem:s14], [sflag:$0x8] =	stream.linear.gather [hbm4b:s7+s3], $0x50, $0x38;
	[tilespmem:$0x1BC10] =	vst v63  }
0xd1: {  	s10 =	sadd.s32 s6, s19  }
0xd2: {  	[tilespmem:s15], [sflag:$0x8] =	stream.linear.gather [hbm4b:s10+s3], $0x50, $0x38;
	[tilespmem:$0x1BC10] =	vst v63  }
0xd3: {  	_ =	swait.ge [sflag:s17], $0x50  }
0xd4: {  	[sflag:s17] =	ssyncset.done $0x0  }
.Ltmp4:
0xd5: {  	[sflag:s17] =	ssyncadd.s32 $0xFFFFFFB0;
	(pc) =	sbr.rel .LBB2_4-.Ltmp4, $4  }
0xd6: {  	_ =	swait.ge [sflag:s17], $0x50  }
0xd7: {  	[sflag:s17] =	ssyncset.done $0x0  }
0xd8: {  	s13 =	sadd.s32 $0x140, s13;
	s6 =	sadd.s32 $0x28, s6;
	[sflag:s17] =	ssyncadd.s32 $0xFFFFFFB0  }
0xd9: {  	[tilespmem:s26], [sflag:$0x2] =	stream.indirect.gather [hbm4b:s5+s8], $0x90, s4, s8, $0xb8;
	[tilespmem:$0x1BC10] =	vst v63  }
.LBB2_7:
0xda: {  	_ =	sfence.sel $0x180000  }
0xdb: {  	[bflag:$0x0] =	sbarrier.arrive $0xFFFF  }
0xdc: {  	_ =	strace $0x90000047  }
0xdd: {  	s0 =	stileid.u32;
	[bflag:$0x2] =	sbarrier.arrive $0xFFFF  }
0xde: {  	p0 =	sne.s32 s0, $0x0;
	s0 =	rddreg [dreg:$0x2]  }
0xdf: {  	s0 =	sadd.s32 @!p0 $0x100000, s0  }
0xe0: {  	[sflag:s0] =	ssyncadd.tile.s32 @!p0 $0x1;
	_ =	shalt  }
.Lfunc_end2:
_tile_overlayer_lowered:
.L_overlay_start_2:
0xe1: {  	(tag) =	ssettag $0x2  }
0xe2: {  	s0 =	rddreg [dreg:$0x0];
	s2 =	stileid.u32  }
0xe3: {  	s1 =	rddreg [dreg:$0x1];
	p0 =	sne.s32 s2, $0x0  }
0xe4: {  	s3 =	rddreg [dreg:$0x2];
	[bflag:$0x3] =	sbarrier.arrive $0xFFFF;
	s2 =	simm.s32 @!p0 $0x1C09  }
0xe5: {  	[timem:s3], [sflag:s2] =	dma.local @!p0 [hbm:s0], s1  }
0xe6: {  	s0 =	simm.s32 @!p0 $0x9  }
0xe7: {  	_ =	swait.ge @!p0 [sflag:s0], s1  }
0xe8: {  	s1 =	ssub.s32 @!p0 $0x0, s1;
	[sflag:s0] =	ssyncset.done @!p0 $0x0  }
0xe9: {  	[sflag:s0] =	ssyncadd.s32 @!p0 s1  }
0xea: {  	[bflag:$0x3] =	sbarrier.arrive $0xFFFF  }
0xeb: {  	_ =	shalt  }

</sc_bundles>
